<compile_context>
chip_gen: v7x
topology: tpu7x:2x2x1
jax: 0.10.2.dev20260603
libtpu: 0.0.44.dev20260713+nightly
codegen_flags: <defaults>
</compile_context>

<pallas_src>
import functools

import numpy as np
import jax
import jax.numpy as jnp
from jax import lax
from jax.experimental import pallas as pl
from jax.experimental.pallas import tpu as pltpu
from jax.experimental.pallas import tpu_sc as plsc

D_FEAT = 123
D_PAD = 128
NUM_VALS = 21
NC, NS = 2, 16
NW = NC * NS
BATCH, SEQ = 1024, 512
B_TOKENS = BATCH * SEQ
TOK_PER_W = B_TOKENS // NW
CHUNK = 128
NCHUNK = TOK_PER_W // CHUNK
NBUF = 4
LOOKAHEAD = 3


def _expansion_consts():
    mu = np.zeros((D_PAD,), np.float32)
    inv = np.zeros((D_PAD,), np.float32)
    ch = np.zeros((D_PAD,), np.int64)
    sig = np.zeros((D_PAD,), np.float32)
    o = 0
    for cnt, c, lo, hi, stride in (
        (90, 0, -4.5, 4.5, 0.1),
        (22, 1, 0.0, 2.2, 0.1),
        (8, 2, -1.0, 1.0, 0.25),
    ):
        mu[o:o + cnt] = np.linspace(lo, hi, cnt)
        inv[o:o + cnt] = 1.0 / stride
        ch[o:o + cnt] = c
        o += cnt
    for c in (3, 4, 5):
        ch[o] = c
        sig[o] = 1.0
        o += 1
    sel = np.zeros((6, D_PAD), np.float32)
    sel[ch[:D_FEAT], np.arange(D_FEAT)] = 1.0
    return (
        jnp.asarray(mu).reshape(1, -1),
        jnp.asarray(inv).reshape(1, -1),
        jnp.asarray(sig).reshape(1, -1),
        jnp.asarray(sel),
    )


def _table_body(emb_ref, sel_ref, mu_ref, inv_ref, sig_ref, tab_ref):
    e = jnp.zeros(tab_ref.shape, jnp.float32)
    for c in range(6):
        e = e + emb_ref[:, c:c + 1] * sel_ref[c:c + 1, :]
    rbf = jnp.exp(-((e - mu_ref[...]) * inv_ref[...]) ** 2)
    sg = jax.nn.sigmoid(e * 6.0 - 3.0)
    tab_ref[...] = jnp.where(sig_ref[...] > 0.0, sg, rbf)


_table_call = pl.pallas_call(
    _table_body,
    out_shape=jax.ShapeDtypeStruct((NUM_VALS, D_PAD), jnp.float32),
)


@functools.partial(
    pl.kernel,
    out_type=jax.ShapeDtypeStruct((B_TOKENS, D_PAD), jnp.float32),
    mesh=plsc.VectorSubcoreMesh(core_axis_name="c", subcore_axis_name="s"),
    scratch_types=[
        pltpu.VMEM((TOK_PER_W,), jnp.int32),
        pltpu.VMEM_SHARED((NUM_VALS, D_PAD), jnp.float32),
        pltpu.VMEM((NBUF, CHUNK, D_PAD), jnp.float32),
        pltpu.SemaphoreType.DMA,
        pltpu.SemaphoreType.DMA,
        pltpu.SemaphoreType.DMA,
    ],
)
def _gather_call(tab_hbm, idx_hbm, out_hbm, idx_v, tab_v, bufs, tsem, gsem, wsem):
    sid = lax.axis_index("s")
    wid = sid * NC + lax.axis_index("c")
    base = wid * TOK_PER_W

    @pl.when(sid == 0)
    def _stage_table():
        pltpu.make_async_copy(tab_hbm, tab_v, tsem).start()

    pltpu.sync_copy(idx_hbm.at[pl.ds(base, TOK_PER_W)], idx_v)

    @pl.when(sid == 0)
    def _stage_table_wait():
        pltpu.make_async_copy(tab_hbm, tab_v, tsem).wait()

    plsc.subcore_barrier()

    def g_desc(c, b):
        return pltpu.make_async_copy(
            tab_v.at[idx_v.at[pl.ds(c * CHUNK, CHUNK)]], bufs.at[b], gsem)

    def w_desc(c, b):
        return pltpu.make_async_copy(
            bufs.at[b], out_hbm.at[pl.ds(base + c * CHUNK, CHUNK)], wsem)

    for c in range(LOOKAHEAD):
        g_desc(c, c % NBUF).start()

    @pl.loop(0, NCHUNK, step=NBUF)
    def _ring(c4):
        for d in range(NBUF):
            c = c4 + d
            g_desc(c, d).wait()
            w_desc(c, d).start()
            prev = c - 1
            if d == 0:
                @pl.when(c4 > 0)
                def _w():
                    w_desc(prev, NBUF - 1).wait()
            else:
                w_desc(prev, d - 1).wait()
            nxt = c + LOOKAHEAD
            nb = (d + LOOKAHEAD) % NBUF

            @pl.when(nxt < NCHUNK)
            def _g():
                g_desc(nxt, nb).start()

    w_desc(NCHUNK - 1, (NCHUNK - 1) % NBUF).wait()


def kernel(x, embedding):
    mu, inv, sig, sel = _expansion_consts()
    table = _table_call(embedding, sel, mu, inv, sig)
    idx = x.reshape(-1).astype(jnp.int32)
    out = _gather_call(table, idx)
    return out[:, :D_FEAT].reshape(BATCH, SEQ, D_FEAT)

# --- scband reference (transcript-rebuilt; emitter-appended) ---
"""Pipeline reference for scband-aaembedding-37228776522385 (READ-ONLY COPY).

The authoritative reference and input builder live on the scoring server;
editing this copy changes nothing except your own understanding.
"""

import jax, jax.numpy as jnp
import numpy as np

ALPHABET = '#ACDEFGHIKLMNPQRSTVWY'


def _build_embedding():
    hydropathy = {'#': 0, 'I': 4.5, 'V': 4.2, 'L': 3.8, 'F': 2.8, 'C': 2.5, 'M': 1.9, 'A': 1.8, 'W': -0.9, 'G': -0.4, 'T': -0.7, 'S': -0.8, 'Y': -1.3, 'P': -1.6, 'H': -3.2, 'N': -3.5, 'D': -3.5, 'Q': -3.5, 'E': -3.5, 'K': -3.9, 'R': -4.5}
    volume = {'#': 0, 'G': 60.1, 'A': 88.6, 'S': 89.0, 'C': 108.5, 'D': 111.1, 'P': 112.7, 'N': 114.1, 'T': 116.1, 'E': 138.4, 'V': 140.0, 'Q': 143.8, 'H': 153.2, 'M': 162.9, 'I': 166.7, 'L': 166.7, 'K': 168.6, 'R': 173.4, 'F': 189.9, 'Y': 193.6, 'W': 227.8}
    charge = {**{'R': 1, 'K': 1, 'D': -1, 'E': -1, 'H': 0.1}, **{x: 0 for x in 'ABCFGIJLMNOPQSTUVWXYZ#'}}
    polarity = {**{x: 1 for x in 'RNDQEHKSTY'}, **{x: 0 for x in 'ACGILMFPWV#'}}
    acceptor = {**{x: 1 for x in 'DENQHSTY'}, **{x: 0 for x in 'RKWACGILMFPV#'}}
    donor = {**{x: 1 for x in 'RKWNQHSTY'}, **{x: 0 for x in 'DEACGILMFPV#'}}
    emb = np.array([[hydropathy[aa], volume[aa] / 100, charge[aa], polarity[aa], acceptor[aa], donor[aa]] for aa in ALPHABET], dtype=np.float32)
    return jnp.asarray(emb)


def _to_rbf(D, D_min, D_max, stride):
    D_count = int((D_max - D_min) / stride)
    D_mu = jnp.linspace(D_min, D_max, D_count).reshape(1, 1, -1)
    D_expand = D[..., None]
    return jnp.exp(-((D_expand - D_mu) / stride) ** 2)


def _transform(aa_vecs):
    return jnp.concatenate([
        _to_rbf(aa_vecs[:, :, 0], -4.5, 4.5, 0.1),
        _to_rbf(aa_vecs[:, :, 1], 0.0, 2.2, 0.1),
        _to_rbf(aa_vecs[:, :, 2], -1.0, 1.0, 0.25),
        jax.nn.sigmoid(aa_vecs[:, :, 3:] * 6 - 3),
    ], axis=-1)


def setup_inputs(seed: int = 0) -> dict:
    key = jax.random.key(seed)
    x = jax.random.randint(key, (1024, 512), 0, 21, dtype=jnp.int64 if jax.config.jax_enable_x64 else jnp.int32)
    embedding = _build_embedding()
    return {"x": x, "embedding": embedding}


def reference(x, embedding):
    B, N = x.shape[0], x.shape[1]
    aa_vecs = jnp.take(embedding, x.reshape(-1), axis=0).reshape(B, N, -1)
    rbf_vecs = _transform(aa_vecs)
    return rbf_vecs

if __name__ == "__main__":
    import jax
    _d = setup_inputs()
    print(jax.jit(kernel)(*tuple(_d.values())))

</pallas_src>

<mosaic_0001>
#map = affine_map<(d0, d1) -> (0, 0)>
#map1 = affine_map<(d0, d1) -> (0)>
module attributes {stable_mosaic.version = 14 : i64} {
  func.func @_gather_call(%arg0: i32, %arg1: i32, %arg2: memref<21x128xf32, #tpu.memory_space<hbm>>, %arg3: memref<524288xi32, #tpu.memory_space<hbm>>, %arg4: memref<524288x128xf32, #tpu.memory_space<hbm>>, %arg5: memref<16384xi32, #tpu.memory_space<vmem>>, %arg6: memref<21x128xf32, #tpu.memory_space<vmem_shared>>, %arg7: memref<4x128x128xf32, #tpu.memory_space<vmem>>, %arg8: memref<!tpu.dma_semaphore, #tpu.memory_space<semaphore_mem>>, %arg9: memref<!tpu.dma_semaphore, #tpu.memory_space<semaphore_mem>>, %arg10: memref<!tpu.dma_semaphore, #tpu.memory_space<semaphore_mem>>) attributes {dimension_semantics = [#tpu.dimension_semantics<core_parallel>, #tpu.dimension_semantics<subcore_parallel>], iteration_bounds = array<i64: 2, 16>, scalar_prefetch = 0 : i64, scratch_operands = 6 : i64, tpu.core_type = #tpu.core_type<sc_vector_subcore>, window_params = [{transform_indices = #map}, {transform_indices = #map1}, {transform_indices = #map}]} {
    %mul3A = arith.constant 2 : i32
    %mul3A_0 = arith.muli %arg1, %mul3A : i32
    %add3A = arith.addi %mul3A_0, %arg0 : i32
    %mul3A_1 = arith.constant 16384 : i32
    %mul3A_2 = arith.muli %add3A, %mul3A_1 : i32
    %eq3A = arith.constant 0 : i32
    %eq3A_3 = arith.cmpi eq, %arg1, %eq3A : i32
    %convert_element_type3A = arith.extui %eq3A_3 : i1 to i32
    %cond3A = arith.constant 0 : i32
    %cond3A_4 = arith.cmpi ne, %convert_element_type3A, %cond3A : i32
    scf.if %cond3A_4 {
      tpu.enqueue_dma source(%arg2 : memref<21x128xf32, #tpu.memory_space<hbm>>) target(%arg6 : memref<21x128xf32, #tpu.memory_space<vmem_shared>>) target_semaphore(%arg8 : memref<!tpu.dma_semaphore, #tpu.memory_space<semaphore_mem>>)
    } else {
    }
    "tpu.region"() ({
      %run_scoped3A = tpu.sem_alloc : memref<!tpu.dma_semaphore, #tpu.memory_space<semaphore_mem>>
      %dma_start3A_57 = tpu.memref_slice %arg3[%mul3A_2] : memref<524288xi32, #tpu.memory_space<hbm>> -> memref<16384xi32, #tpu.memory_space<hbm>>
      %dma_start3A_58 = tpu.memref_slice %arg3[%mul3A_2] : memref<524288xi32, #tpu.memory_space<hbm>> -> memref<16384xi32, #tpu.memory_space<hbm>>
      tpu.enqueue_dma source(%dma_start3A_58 : memref<16384xi32, #tpu.memory_space<hbm>>) target(%arg5 : memref<16384xi32, #tpu.memory_space<vmem>>) target_semaphore(%run_scoped3A : memref<!tpu.dma_semaphore, #tpu.memory_space<semaphore_mem>>)
      %dma_wait3A_59 = tpu.memref_slice %arg3[%mul3A_2] : memref<524288xi32, #tpu.memory_space<hbm>> -> memref<16384xi32, #tpu.memory_space<hbm>>
      %dma_wait3A_60 = tpu.memref_slice %arg3[%mul3A_2] : memref<524288xi32, #tpu.memory_space<hbm>> -> memref<16384xi32, #tpu.memory_space<hbm>>
      tpu.wait_dma2 semaphore(%run_scoped3A : memref<!tpu.dma_semaphore, #tpu.memory_space<semaphore_mem>>) src(%dma_wait3A_60 : memref<16384xi32, #tpu.memory_space<hbm>>) dst(%arg5 : memref<16384xi32, #tpu.memory_space<vmem>>)
      tpu.yield
    }) : () -> ()
    %eq3A_5 = arith.constant 0 : i32
    %eq3A_6 = arith.cmpi eq, %arg1, %eq3A_5 : i32
    %convert_element_type3A_7 = arith.extui %eq3A_6 : i1 to i32
    %cond3A_8 = arith.constant 0 : i32
    %cond3A_9 = arith.cmpi ne, %convert_element_type3A_7, %cond3A_8 : i32
    scf.if %cond3A_9 {
      tpu.wait_dma2 semaphore(%arg8 : memref<!tpu.dma_semaphore, #tpu.memory_space<semaphore_mem>>) src(%arg2 : memref<21x128xf32, #tpu.memory_space<hbm>>) dst(%arg6 : memref<21x128xf32, #tpu.memory_space<vmem_shared>>)
    } else {
    }
    %barrier3A = arith.constant 0 : index
    tpu.barrier barrier_id(%barrier3A)
    %dma_start3A = arith.constant 0 : i32
    %dma_start3A_10 = arith.constant 0 : i32
    %dma_start3A_11 = arith.constant 0 : i32
    %dma_start3A_12 = tpu.memref_slice %arg7[%dma_start3A, %dma_start3A_10, %dma_start3A_11] : memref<4x128x128xf32, #tpu.memory_space<vmem>> -> memref<1x128x128xf32, #tpu.memory_space<vmem>>
    %dma_start3A_13 = tpu.memref_squeeze %dma_start3A_12 : memref<1x128x128xf32, #tpu.memory_space<vmem>> -> memref<128x128xf32, #tpu.memory_space<vmem>>
    %dma_start3A_14 = arith.constant 0 : i32
    %dma_start3A_15 = tpu.memref_slice %arg5[%dma_start3A_14] : memref<16384xi32, #tpu.memory_space<vmem>> -> memref<128xi32, #tpu.memory_space<vmem>>
    %dma_start3A_16 = arith.constant 0 : i32
    %dma_start3A_17 = arith.constant 0 : i32
    %dma_start3A_18 = tpu.memref_slice %arg6[%dma_start3A_16, %dma_start3A_17] : memref<21x128xf32, #tpu.memory_space<vmem_shared>> -> memref<21x128xf32, #tpu.memory_space<vmem_shared>>
    tpu.enqueue_indirect_dma source(%dma_start3A_18 : memref<21x128xf32, #tpu.memory_space<vmem_shared>>) target(%dma_start3A_13 : memref<128x128xf32, #tpu.memory_space<vmem>>) offsets(%dma_start3A_15 : memref<128xi32, #tpu.memory_space<vmem>>) semaphore(%arg9 : memref<!tpu.dma_semaphore, #tpu.memory_space<semaphore_mem>>)
    %dma_start3A_19 = arith.constant 1 : i32
    %dma_start3A_20 = arith.constant 0 : i32
    %dma_start3A_21 = arith.constant 0 : i32
    %dma_start3A_22 = tpu.memref_slice %arg7[%dma_start3A_19, %dma_start3A_20, %dma_start3A_21] : memref<4x128x128xf32, #tpu.memory_space<vmem>> -> memref<1x128x128xf32, #tpu.memory_space<vmem>>
    %dma_start3A_23 = tpu.memref_squeeze %dma_start3A_22 : memref<1x128x128xf32, #tpu.memory_space<vmem>> -> memref<128x128xf32, #tpu.memory_space<vmem>>
    %dma_start3A_24 = arith.constant 128 : i32
    %dma_start3A_25 = tpu.memref_slice %arg5[%dma_start3A_24] : memref<16384xi32, #tpu.memory_space<vmem>> -> memref<128xi32, #tpu.memory_space<vmem>>
    %dma_start3A_26 = arith.constant 0 : i32
    %dma_start3A_27 = arith.constant 0 : i32
    %dma_start3A_28 = tpu.memref_slice %arg6[%dma_start3A_26, %dma_start3A_27] : memref<21x128xf32, #tpu.memory_space<vmem_shared>> -> memref<21x128xf32, #tpu.memory_space<vmem_shared>>
    tpu.enqueue_indirect_dma source(%dma_start3A_28 : memref<21x128xf32, #tpu.memory_space<vmem_shared>>) target(%dma_start3A_23 : memref<128x128xf32, #tpu.memory_space<vmem>>) offsets(%dma_start3A_25 : memref<128xi32, #tpu.memory_space<vmem>>) semaphore(%arg9 : memref<!tpu.dma_semaphore, #tpu.memory_space<semaphore_mem>>)
    %dma_start3A_29 = arith.constant 2 : i32
    %dma_start3A_30 = arith.constant 0 : i32
    %dma_start3A_31 = arith.constant 0 : i32
    %dma_start3A_32 = tpu.memref_slice %arg7[%dma_start3A_29, %dma_start3A_30, %dma_start3A_31] : memref<4x128x128xf32, #tpu.memory_space<vmem>> -> memref<1x128x128xf32, #tpu.memory_space<vmem>>
    %dma_start3A_33 = tpu.memref_squeeze %dma_start3A_32 : memref<1x128x128xf32, #tpu.memory_space<vmem>> -> memref<128x128xf32, #tpu.memory_space<vmem>>
    %dma_start3A_34 = arith.constant 256 : i32
    %dma_start3A_35 = tpu.memref_slice %arg5[%dma_start3A_34] : memref<16384xi32, #tpu.memory_space<vmem>> -> memref<128xi32, #tpu.memory_space<vmem>>
    %dma_start3A_36 = arith.constant 0 : i32
    %dma_start3A_37 = arith.constant 0 : i32
    %dma_start3A_38 = tpu.memref_slice %arg6[%dma_start3A_36, %dma_start3A_37] : memref<21x128xf32, #tpu.memory_space<vmem_shared>> -> memref<21x128xf32, #tpu.memory_space<vmem_shared>>
    tpu.enqueue_indirect_dma source(%dma_start3A_38 : memref<21x128xf32, #tpu.memory_space<vmem_shared>>) target(%dma_start3A_33 : memref<128x128xf32, #tpu.memory_space<vmem>>) offsets(%dma_start3A_35 : memref<128xi32, #tpu.memory_space<vmem>>) semaphore(%arg9 : memref<!tpu.dma_semaphore, #tpu.memory_space<semaphore_mem>>)
    %scan3A = arith.constant 0 : i32
    %scan3A_39 = arith.constant 32 : i32
    %scan3A_40 = arith.addi %scan3A, %scan3A_39 : i32
    %scan3A_41 = arith.constant 1 : i32
    scf.for %scan3A_57 = %scan3A to %scan3A_40 step %scan3A_41  : i32 {
      %mul3A_58 = arith.constant 4 : i32
      %mul3A_59 = arith.muli %scan3A_57, %mul3A_58 : i32
      %add3A_60 = arith.constant 0 : i32
      %add3A_61 = arith.addi %add3A_60, %mul3A_59 : i32
      %add3A_62 = arith.constant 0 : i32
      %add3A_63 = arith.addi %add3A_61, %add3A_62 : i32
      %mul3A_64 = arith.constant 128 : i32
      %mul3A_65 = arith.muli %add3A_63, %mul3A_64 : i32
      %dma_wait3A_66 = arith.constant 0 : i32
      %dma_wait3A_67 = arith.constant 0 : i32
      %dma_wait3A_68 = arith.constant 0 : i32
      %dma_wait3A_69 = tpu.memref_slice %arg7[%dma_wait3A_66, %dma_wait3A_67, %dma_wait3A_68] : memref<4x128x128xf32, #tpu.memory_space<vmem>> -> memref<1x128x128xf32, #tpu.memory_space<vmem>>
      %dma_wait3A_70 = tpu.memref_squeeze %dma_wait3A_69 : memref<1x128x128xf32, #tpu.memory_space<vmem>> -> memref<128x128xf32, #tpu.memory_space<vmem>>
      %dma_wait3A_71 = tpu.memref_slice %arg5[%mul3A_65] : memref<16384xi32, #tpu.memory_space<vmem>> -> memref<128xi32, #tpu.memory_space<vmem>>
      %dma_wait3A_72 = arith.constant 0 : i32
      %dma_wait3A_73 = arith.constant 0 : i32
      %dma_wait3A_74 = tpu.memref_slice %arg6[%dma_wait3A_72, %dma_wait3A_73] : memref<21x128xf32, #tpu.memory_space<vmem_shared>> -> memref<21x128xf32, #tpu.memory_space<vmem_shared>>
      tpu.wait_indirect_dma semaphore(%arg9 : memref<!tpu.dma_semaphore, #tpu.memory_space<semaphore_mem>>) src(%dma_wait3A_74 : memref<21x128xf32, #tpu.memory_space<vmem_shared>>) dst(%dma_wait3A_70 : memref<128x128xf32, #tpu.memory_space<vmem>>)
      %mul3A_75 = arith.constant 128 : i32
      %mul3A_76 = arith.muli %add3A_63, %mul3A_75 : i32
      %add3A_77 = arith.addi %mul3A_2, %mul3A_76 : i32
      %dma_start3A_78 = arith.constant 0 : i32
      %dma_start3A_79 = arith.constant 0 : i32
      %dma_start3A_80 = arith.constant 0 : i32
      %dma_start3A_81 = tpu.memref_slice %arg7[%dma_start3A_78, %dma_start3A_79, %dma_start3A_80] : memref<4x128x128xf32, #tpu.memory_space<vmem>> -> memref<1x128x128xf32, #tpu.memory_space<vmem>>
      %dma_start3A_82 = tpu.memref_squeeze %dma_start3A_81 : memref<1x128x128xf32, #tpu.memory_space<vmem>> -> memref<128x128xf32, #tpu.memory_space<vmem>>
      %dma_start3A_83 = arith.constant 0 : i32
      %dma_start3A_84 = tpu.memref_slice %arg4[%add3A_77, %dma_start3A_83] : memref<524288x128xf32, #tpu.memory_space<hbm>> -> memref<128x128xf32, #tpu.memory_space<hbm>>
      %dma_start3A_85 = arith.constant 0 : i32
      %dma_start3A_86 = tpu.memref_slice %arg4[%add3A_77, %dma_start3A_85] : memref<524288x128xf32, #tpu.memory_space<hbm>> -> memref<128x128xf32, #tpu.memory_space<hbm>>
      %dma_start3A_87 = arith.constant 0 : i32
      %dma_start3A_88 = arith.constant 0 : i32
      %dma_start3A_89 = tpu.memref_slice %arg7[%dma_start3A_78, %dma_start3A_87, %dma_start3A_88] : memref<4x128x128xf32, #tpu.memory_space<vmem>> -> memref<1x128x128xf32, #tpu.memory_space<vmem>>
      %dma_start3A_90 = tpu.memref_squeeze %dma_start3A_89 : memref<1x128x128xf32, #tpu.memory_space<vmem>> -> memref<128x128xf32, #tpu.memory_space<vmem>>
      tpu.enqueue_dma source(%dma_start3A_90 : memref<128x128xf32, #tpu.memory_space<vmem>>) target(%dma_start3A_86 : memref<128x128xf32, #tpu.memory_space<hbm>>) target_semaphore(%arg10 : memref<!tpu.dma_semaphore, #tpu.memory_space<semaphore_mem>>)
      %sub3A = arith.constant 1 : i32
      %sub3A_91 = arith.subi %add3A_63, %sub3A : i32
      %gt3A = arith.constant 0 : i32
      %gt3A_92 = arith.cmpi sgt, %add3A_61, %gt3A : i32
      %convert_element_type3A_93 = arith.extui %gt3A_92 : i1 to i32
      %cond3A_94 = arith.constant 0 : i32
      %cond3A_95 = arith.cmpi ne, %convert_element_type3A_93, %cond3A_94 : i32
      scf.if %cond3A_95 {
        %mul3A_264 = arith.constant 128 : i32
        %mul3A_265 = arith.muli %sub3A_91, %mul3A_264 : i32
        %add3A_266 = arith.addi %mul3A_2, %mul3A_265 : i32
        %dma_wait3A_267 = arith.constant 3 : i32
        %dma_wait3A_268 = arith.constant 0 : i32
        %dma_wait3A_269 = arith.constant 0 : i32
        %dma_wait3A_270 = tpu.memref_slice %arg7[%dma_wait3A_267, %dma_wait3A_268, %dma_wait3A_269] : memref<4x128x128xf32, #tpu.memory_space<vmem>> -> memref<1x128x128xf32, #tpu.memory_space<vmem>>
        %dma_wait3A_271 = tpu.memref_squeeze %dma_wait3A_270 : memref<1x128x128xf32, #tpu.memory_space<vmem>> -> memref<128x128xf32, #tpu.memory_space<vmem>>
        %dma_wait3A_272 = arith.constant 0 : i32
        %dma_wait3A_273 = tpu.memref_slice %arg4[%add3A_266, %dma_wait3A_272] : memref<524288x128xf32, #tpu.memory_space<hbm>> -> memref<128x128xf32, #tpu.memory_space<hbm>>
        %dma_wait3A_274 = arith.constant 0 : i32
        %dma_wait3A_275 = tpu.memref_slice %arg4[%add3A_266, %dma_wait3A_274] : memref<524288x128xf32, #tpu.memory_space<hbm>> -> memref<128x128xf32, #tpu.memory_space<hbm>>
        %dma_wait3A_276 = arith.constant 0 : i32
        %dma_wait3A_277 = arith.constant 0 : i32
        %dma_wait3A_278 = tpu.memref_slice %arg7[%dma_wait3A_267, %dma_wait3A_276, %dma_wait3A_277] : memref<4x128x128xf32, #tpu.memory_space<vmem>> -> memref<1x128x128xf32, #tpu.memory_space<vmem>>
        %dma_wait3A_279 = tpu.memref_squeeze %dma_wait3A_278 : memref<1x128x128xf32, #tpu.memory_space<vmem>> -> memref<128x128xf32, #tpu.memory_space<vmem>>
        tpu.wait_dma2 semaphore(%arg10 : memref<!tpu.dma_semaphore, #tpu.memory_space<semaphore_mem>>) src(%dma_wait3A_279 : memref<128x128xf32, #tpu.memory_space<vmem>>) dst(%dma_wait3A_275 : memref<128x128xf32, #tpu.memory_space<hbm>>)
      } else {
      }
      %add3A_96 = arith.constant 3 : i32
      %add3A_97 = arith.addi %add3A_63, %add3A_96 : i32
      %lt3A = arith.constant 128 : i32
      %lt3A_98 = arith.cmpi slt, %add3A_97, %lt3A : i32
      %convert_element_type3A_99 = arith.extui %lt3A_98 : i1 to i32
      %cond3A_100 = arith.constant 0 : i32
      %cond3A_101 = arith.cmpi ne, %convert_element_type3A_99, %cond3A_100 : i32
      scf.if %cond3A_101 {
        %mul3A_264 = arith.constant 128 : i32
        %mul3A_265 = arith.muli %add3A_97, %mul3A_264 : i32
        %dma_start3A_266 = arith.constant 3 : i32
        %dma_start3A_267 = arith.constant 0 : i32
        %dma_start3A_268 = arith.constant 0 : i32
        %dma_start3A_269 = tpu.memref_slice %arg7[%dma_start3A_266, %dma_start3A_267, %dma_start3A_268] : memref<4x128x128xf32, #tpu.memory_space<vmem>> -> memref<1x128x128xf32, #tpu.memory_space<vmem>>
        %dma_start3A_270 = tpu.memref_squeeze %dma_start3A_269 : memref<1x128x128xf32, #tpu.memory_space<vmem>> -> memref<128x128xf32, #tpu.memory_space<vmem>>
        %dma_start3A_271 = tpu.memref_slice %arg5[%mul3A_265] : memref<16384xi32, #tpu.memory_space<vmem>> -> memref<128xi32, #tpu.memory_space<vmem>>
        %dma_start3A_272 = arith.constant 0 : i32
        %dma_start3A_273 = arith.constant 0 : i32
        %dma_start3A_274 = tpu.memref_slice %arg6[%dma_start3A_272, %dma_start3A_273] : memref<21x128xf32, #tpu.memory_space<vmem_shared>> -> memref<21x128xf32, #tpu.memory_space<vmem_shared>>
        tpu.enqueue_indirect_dma source(%dma_start3A_274 : memref<21x128xf32, #tpu.memory_space<vmem_shared>>) target(%dma_start3A_270 : memref<128x128xf32, #tpu.memory_space<vmem>>) offsets(%dma_start3A_271 : memref<128xi32, #tpu.memory_space<vmem>>) semaphore(%arg9 : memref<!tpu.dma_semaphore, #tpu.memory_space<semaphore_mem>>)
      } else {
      }
      %add3A_102 = arith.constant 1 : i32
      %add3A_103 = arith.addi %add3A_61, %add3A_102 : i32
      %mul3A_104 = arith.constant 128 : i32
      %mul3A_105 = arith.muli %add3A_103, %mul3A_104 : i32
      %dma_wait3A_106 = arith.constant 1 : i32
      %dma_wait3A_107 = arith.constant 0 : i32
      %dma_wait3A_108 = arith.constant 0 : i32
      %dma_wait3A_109 = tpu.memref_slice %arg7[%dma_wait3A_106, %dma_wait3A_107, %dma_wait3A_108] : memref<4x128x128xf32, #tpu.memory_space<vmem>> -> memref<1x128x128xf32, #tpu.memory_space<vmem>>
      %dma_wait3A_110 = tpu.memref_squeeze %dma_wait3A_109 : memref<1x128x128xf32, #tpu.memory_space<vmem>> -> memref<128x128xf32, #tpu.memory_space<vmem>>
      %dma_wait3A_111 = tpu.memref_slice %arg5[%mul3A_105] : memref<16384xi32, #tpu.memory_space<vmem>> -> memref<128xi32, #tpu.memory_space<vmem>>
      %dma_wait3A_112 = arith.constant 0 : i32
      %dma_wait3A_113 = arith.constant 0 : i32
      %dma_wait3A_114 = tpu.memref_slice %arg6[%dma_wait3A_112, %dma_wait3A_113] : memref<21x128xf32, #tpu.memory_space<vmem_shared>> -> memref<21x128xf32, #tpu.memory_space<vmem_shared>>
      tpu.wait_indirect_dma semaphore(%arg9 : memref<!tpu.dma_semaphore, #tpu.memory_space<semaphore_mem>>) src(%dma_wait3A_114 : memref<21x128xf32, #tpu.memory_space<vmem_shared>>) dst(%dma_wait3A_110 : memref<128x128xf32, #tpu.memory_space<vmem>>)
      %mul3A_115 = arith.constant 128 : i32
      %mul3A_116 = arith.muli %add3A_103, %mul3A_115 : i32
      %add3A_117 = arith.addi %mul3A_2, %mul3A_116 : i32
      %dma_start3A_118 = arith.constant 1 : i32
      %dma_start3A_119 = arith.constant 0 : i32
      %dma_start3A_120 = arith.constant 0 : i32
      %dma_start3A_121 = tpu.memref_slice %arg7[%dma_start3A_118, %dma_start3A_119, %dma_start3A_120] : memref<4x128x128xf32, #tpu.memory_space<vmem>> -> memref<1x128x128xf32, #tpu.memory_space<vmem>>
      %dma_start3A_122 = tpu.memref_squeeze %dma_start3A_121 : memref<1x128x128xf32, #tpu.memory_space<vmem>> -> memref<128x128xf32, #tpu.memory_space<vmem>>
      %dma_start3A_123 = arith.constant 0 : i32
      %dma_start3A_124 = tpu.memref_slice %arg4[%add3A_117, %dma_start3A_123] : memref<524288x128xf32, #tpu.memory_space<hbm>> -> memref<128x128xf32, #tpu.memory_space<hbm>>
      %dma_start3A_125 = arith.constant 0 : i32
      %dma_start3A_126 = tpu.memref_slice %arg4[%add3A_117, %dma_start3A_125] : memref<524288x128xf32, #tpu.memory_space<hbm>> -> memref<128x128xf32, #tpu.memory_space<hbm>>
      %dma_start3A_127 = arith.constant 0 : i32
      %dma_start3A_128 = arith.constant 0 : i32
      %dma_start3A_129 = tpu.memref_slice %arg7[%dma_start3A_118, %dma_start3A_127, %dma_start3A_128] : memref<4x128x128xf32, #tpu.memory_space<vmem>> -> memref<1x128x128xf32, #tpu.memory_space<vmem>>
      %dma_start3A_130 = tpu.memref_squeeze %dma_start3A_129 : memref<1x128x128xf32, #tpu.memory_space<vmem>> -> memref<128x128xf32, #tpu.memory_space<vmem>>
      tpu.enqueue_dma source(%dma_start3A_130 : memref<128x128xf32, #tpu.memory_space<vmem>>) target(%dma_start3A_126 : memref<128x128xf32, #tpu.memory_space<hbm>>) target_semaphore(%arg10 : memref<!tpu.dma_semaphore, #tpu.memory_space<semaphore_mem>>)
      %sub3A_131 = arith.constant 1 : i32
      %sub3A_132 = arith.subi %add3A_103, %sub3A_131 : i32
      %mul3A_133 = arith.constant 128 : i32
      %mul3A_134 = arith.muli %sub3A_132, %mul3A_133 : i32
      %add3A_135 = arith.addi %mul3A_2, %mul3A_134 : i32
      %dma_wait3A_136 = arith.constant 0 : i32
      %dma_wait3A_137 = arith.constant 0 : i32
      %dma_wait3A_138 = arith.constant 0 : i32
      %dma_wait3A_139 = tpu.memref_slice %arg7[%dma_wait3A_136, %dma_wait3A_137, %dma_wait3A_138] : memref<4x128x128xf32, #tpu.memory_space<vmem>> -> memref<1x128x128xf32, #tpu.memory_space<vmem>>
      %dma_wait3A_140 = tpu.memref_squeeze %dma_wait3A_139 : memref<1x128x128xf32, #tpu.memory_space<vmem>> -> memref<128x128xf32, #tpu.memory_space<vmem>>
      %dma_wait3A_141 = arith.constant 0 : i32
      %dma_wait3A_142 = tpu.memref_slice %arg4[%add3A_135, %dma_wait3A_141] : memref<524288x128xf32, #tpu.memory_space<hbm>> -> memref<128x128xf32, #tpu.memory_space<hbm>>
      %dma_wait3A_143 = arith.constant 0 : i32
      %dma_wait3A_144 = tpu.memref_slice %arg4[%add3A_135, %dma_wait3A_143] : memref<524288x128xf32, #tpu.memory_space<hbm>> -> memref<128x128xf32, #tpu.memory_space<hbm>>
      %dma_wait3A_145 = arith.constant 0 : i32
      %dma_wait3A_146 = arith.constant 0 : i32
      %dma_wait3A_147 = tpu.memref_slice %arg7[%dma_wait3A_136, %dma_wait3A_145, %dma_wait3A_146] : memref<4x128x128xf32, #tpu.memory_space<vmem>> -> memref<1x128x128xf32, #tpu.memory_space<vmem>>
      %dma_wait3A_148 = tpu.memref_squeeze %dma_wait3A_147 : memref<1x128x128xf32, #tpu.memory_space<vmem>> -> memref<128x128xf32, #tpu.memory_space<vmem>>
      tpu.wait_dma2 semaphore(%arg10 : memref<!tpu.dma_semaphore, #tpu.memory_space<semaphore_mem>>) src(%dma_wait3A_148 : memref<128x128xf32, #tpu.memory_space<vmem>>) dst(%dma_wait3A_144 : memref<128x128xf32, #tpu.memory_space<hbm>>)
      %add3A_149 = arith.constant 3 : i32
      %add3A_150 = arith.addi %add3A_103, %add3A_149 : i32
      %lt3A_151 = arith.constant 128 : i32
      %lt3A_152 = arith.cmpi slt, %add3A_150, %lt3A_151 : i32
      %convert_element_type3A_153 = arith.extui %lt3A_152 : i1 to i32
      %cond3A_154 = arith.constant 0 : i32
      %cond3A_155 = arith.cmpi ne, %convert_element_type3A_153, %cond3A_154 : i32
      scf.if %cond3A_155 {
        %mul3A_264 = arith.constant 128 : i32
        %mul3A_265 = arith.muli %add3A_150, %mul3A_264 : i32
        %dma_start3A_266 = arith.constant 0 : i32
        %dma_start3A_267 = arith.constant 0 : i32
        %dma_start3A_268 = arith.constant 0 : i32
        %dma_start3A_269 = tpu.memref_slice %arg7[%dma_start3A_266, %dma_start3A_267, %dma_start3A_268] : memref<4x128x128xf32, #tpu.memory_space<vmem>> -> memref<1x128x128xf32, #tpu.memory_space<vmem>>
        %dma_start3A_270 = tpu.memref_squeeze %dma_start3A_269 : memref<1x128x128xf32, #tpu.memory_space<vmem>> -> memref<128x128xf32, #tpu.memory_space<vmem>>
        %dma_start3A_271 = tpu.memref_slice %arg5[%mul3A_265] : memref<16384xi32, #tpu.memory_space<vmem>> -> memref<128xi32, #tpu.memory_space<vmem>>
        %dma_start3A_272 = arith.constant 0 : i32
        %dma_start3A_273 = arith.constant 0 : i32
        %dma_start3A_274 = tpu.memref_slice %arg6[%dma_start3A_272, %dma_start3A_273] : memref<21x128xf32, #tpu.memory_space<vmem_shared>> -> memref<21x128xf32, #tpu.memory_space<vmem_shared>>
        tpu.enqueue_indirect_dma source(%dma_start3A_274 : memref<21x128xf32, #tpu.memory_space<vmem_shared>>) target(%dma_start3A_270 : memref<128x128xf32, #tpu.memory_space<vmem>>) offsets(%dma_start3A_271 : memref<128xi32, #tpu.memory_space<vmem>>) semaphore(%arg9 : memref<!tpu.dma_semaphore, #tpu.memory_space<semaphore_mem>>)
      } else {
      }
      %add3A_156 = arith.constant 2 : i32
      %add3A_157 = arith.addi %add3A_61, %add3A_156 : i32
      %mul3A_158 = arith.constant 128 : i32
      %mul3A_159 = arith.muli %add3A_157, %mul3A_158 : i32
      %dma_wait3A_160 = arith.constant 2 : i32
      %dma_wait3A_161 = arith.constant 0 : i32
      %dma_wait3A_162 = arith.constant 0 : i32
      %dma_wait3A_163 = tpu.memref_slice %arg7[%dma_wait3A_160, %dma_wait3A_161, %dma_wait3A_162] : memref<4x128x128xf32, #tpu.memory_space<vmem>> -> memref<1x128x128xf32, #tpu.memory_space<vmem>>
      %dma_wait3A_164 = tpu.memref_squeeze %dma_wait3A_163 : memref<1x128x128xf32, #tpu.memory_space<vmem>> -> memref<128x128xf32, #tpu.memory_space<vmem>>
      %dma_wait3A_165 = tpu.memref_slice %arg5[%mul3A_159] : memref<16384xi32, #tpu.memory_space<vmem>> -> memref<128xi32, #tpu.memory_space<vmem>>
      %dma_wait3A_166 = arith.constant 0 : i32
      %dma_wait3A_167 = arith.constant 0 : i32
      %dma_wait3A_168 = tpu.memref_slice %arg6[%dma_wait3A_166, %dma_wait3A_167] : memref<21x128xf32, #tpu.memory_space<vmem_shared>> -> memref<21x128xf32, #tpu.memory_space<vmem_shared>>
      tpu.wait_indirect_dma semaphore(%arg9 : memref<!tpu.dma_semaphore, #tpu.memory_space<semaphore_mem>>) src(%dma_wait3A_168 : memref<21x128xf32, #tpu.memory_space<vmem_shared>>) dst(%dma_wait3A_164 : memref<128x128xf32, #tpu.memory_space<vmem>>)
      %mul3A_169 = arith.constant 128 : i32
      %mul3A_170 = arith.muli %add3A_157, %mul3A_169 : i32
      %add3A_171 = arith.addi %mul3A_2, %mul3A_170 : i32
      %dma_start3A_172 = arith.constant 2 : i32
      %dma_start3A_173 = arith.constant 0 : i32
      %dma_start3A_174 = arith.constant 0 : i32
      %dma_start3A_175 = tpu.memref_slice %arg7[%dma_start3A_172, %dma_start3A_173, %dma_start3A_174] : memref<4x128x128xf32, #tpu.memory_space<vmem>> -> memref<1x128x128xf32, #tpu.memory_space<vmem>>
      %dma_start3A_176 = tpu.memref_squeeze %dma_start3A_175 : memref<1x128x128xf32, #tpu.memory_space<vmem>> -> memref<128x128xf32, #tpu.memory_space<vmem>>
      %dma_start3A_177 = arith.constant 0 : i32
      %dma_start3A_178 = tpu.memref_slice %arg4[%add3A_171, %dma_start3A_177] : memref<524288x128xf32, #tpu.memory_space<hbm>> -> memref<128x128xf32, #tpu.memory_space<hbm>>
      %dma_start3A_179 = arith.constant 0 : i32
      %dma_start3A_180 = tpu.memref_slice %arg4[%add3A_171, %dma_start3A_179] : memref<524288x128xf32, #tpu.memory_space<hbm>> -> memref<128x128xf32, #tpu.memory_space<hbm>>
      %dma_start3A_181 = arith.constant 0 : i32
      %dma_start3A_182 = arith.constant 0 : i32
      %dma_start3A_183 = tpu.memref_slice %arg7[%dma_start3A_172, %dma_start3A_181, %dma_start3A_182] : memref<4x128x128xf32, #tpu.memory_space<vmem>> -> memref<1x128x128xf32, #tpu.memory_space<vmem>>
      %dma_start3A_184 = tpu.memref_squeeze %dma_start3A_183 : memref<1x128x128xf32, #tpu.memory_space<vmem>> -> memref<128x128xf32, #tpu.memory_space<vmem>>
      tpu.enqueue_dma source(%dma_start3A_184 : memref<128x128xf32, #tpu.memory_space<vmem>>) target(%dma_start3A_180 : memref<128x128xf32, #tpu.memory_space<hbm>>) target_semaphore(%arg10 : memref<!tpu.dma_semaphore, #tpu.memory_space<semaphore_mem>>)
      %sub3A_185 = arith.constant 1 : i32
      %sub3A_186 = arith.subi %add3A_157, %sub3A_185 : i32
      %mul3A_187 = arith.constant 128 : i32
      %mul3A_188 = arith.muli %sub3A_186, %mul3A_187 : i32
      %add3A_189 = arith.addi %mul3A_2, %mul3A_188 : i32
      %dma_wait3A_190 = arith.constant 1 : i32
      %dma_wait3A_191 = arith.constant 0 : i32
      %dma_wait3A_192 = arith.constant 0 : i32
      %dma_wait3A_193 = tpu.memref_slice %arg7[%dma_wait3A_190, %dma_wait3A_191, %dma_wait3A_192] : memref<4x128x128xf32, #tpu.memory_space<vmem>> -> memref<1x128x128xf32, #tpu.memory_space<vmem>>
      %dma_wait3A_194 = tpu.memref_squeeze %dma_wait3A_193 : memref<1x128x128xf32, #tpu.memory_space<vmem>> -> memref<128x128xf32, #tpu.memory_space<vmem>>
      %dma_wait3A_195 = arith.constant 0 : i32
      %dma_wait3A_196 = tpu.memref_slice %arg4[%add3A_189, %dma_wait3A_195] : memref<524288x128xf32, #tpu.memory_space<hbm>> -> memref<128x128xf32, #tpu.memory_space<hbm>>
      %dma_wait3A_197 = arith.constant 0 : i32
      %dma_wait3A_198 = tpu.memref_slice %arg4[%add3A_189, %dma_wait3A_197] : memref<524288x128xf32, #tpu.memory_space<hbm>> -> memref<128x128xf32, #tpu.memory_space<hbm>>
      %dma_wait3A_199 = arith.constant 0 : i32
      %dma_wait3A_200 = arith.constant 0 : i32
      %dma_wait3A_201 = tpu.memref_slice %arg7[%dma_wait3A_190, %dma_wait3A_199, %dma_wait3A_200] : memref<4x128x128xf32, #tpu.memory_space<vmem>> -> memref<1x128x128xf32, #tpu.memory_space<vmem>>
      %dma_wait3A_202 = tpu.memref_squeeze %dma_wait3A_201 : memref<1x128x128xf32, #tpu.memory_space<vmem>> -> memref<128x128xf32, #tpu.memory_space<vmem>>
      tpu.wait_dma2 semaphore(%arg10 : memref<!tpu.dma_semaphore, #tpu.memory_space<semaphore_mem>>) src(%dma_wait3A_202 : memref<128x128xf32, #tpu.memory_space<vmem>>) dst(%dma_wait3A_198 : memref<128x128xf32, #tpu.memory_space<hbm>>)
      %add3A_203 = arith.constant 3 : i32
      %add3A_204 = arith.addi %add3A_157, %add3A_203 : i32
      %lt3A_205 = arith.constant 128 : i32
      %lt3A_206 = arith.cmpi slt, %add3A_204, %lt3A_205 : i32
      %convert_element_type3A_207 = arith.extui %lt3A_206 : i1 to i32
      %cond3A_208 = arith.constant 0 : i32
      %cond3A_209 = arith.cmpi ne, %convert_element_type3A_207, %cond3A_208 : i32
      scf.if %cond3A_209 {
        %mul3A_264 = arith.constant 128 : i32
        %mul3A_265 = arith.muli %add3A_204, %mul3A_264 : i32
        %dma_start3A_266 = arith.constant 1 : i32
        %dma_start3A_267 = arith.constant 0 : i32
        %dma_start3A_268 = arith.constant 0 : i32
        %dma_start3A_269 = tpu.memref_slice %arg7[%dma_start3A_266, %dma_start3A_267, %dma_start3A_268] : memref<4x128x128xf32, #tpu.memory_space<vmem>> -> memref<1x128x128xf32, #tpu.memory_space<vmem>>
        %dma_start3A_270 = tpu.memref_squeeze %dma_start3A_269 : memref<1x128x128xf32, #tpu.memory_space<vmem>> -> memref<128x128xf32, #tpu.memory_space<vmem>>
        %dma_start3A_271 = tpu.memref_slice %arg5[%mul3A_265] : memref<16384xi32, #tpu.memory_space<vmem>> -> memref<128xi32, #tpu.memory_space<vmem>>
        %dma_start3A_272 = arith.constant 0 : i32
        %dma_start3A_273 = arith.constant 0 : i32
        %dma_start3A_274 = tpu.memref_slice %arg6[%dma_start3A_272, %dma_start3A_273] : memref<21x128xf32, #tpu.memory_space<vmem_shared>> -> memref<21x128xf32, #tpu.memory_space<vmem_shared>>
        tpu.enqueue_indirect_dma source(%dma_start3A_274 : memref<21x128xf32, #tpu.memory_space<vmem_shared>>) target(%dma_start3A_270 : memref<128x128xf32, #tpu.memory_space<vmem>>) offsets(%dma_start3A_271 : memref<128xi32, #tpu.memory_space<vmem>>) semaphore(%arg9 : memref<!tpu.dma_semaphore, #tpu.memory_space<semaphore_mem>>)
      } else {
      }
      %add3A_210 = arith.constant 3 : i32
      %add3A_211 = arith.addi %add3A_61, %add3A_210 : i32
      %mul3A_212 = arith.constant 128 : i32
      %mul3A_213 = arith.muli %add3A_211, %mul3A_212 : i32
      %dma_wait3A_214 = arith.constant 3 : i32
      %dma_wait3A_215 = arith.constant 0 : i32
      %dma_wait3A_216 = arith.constant 0 : i32
      %dma_wait3A_217 = tpu.memref_slice %arg7[%dma_wait3A_214, %dma_wait3A_215, %dma_wait3A_216] : memref<4x128x128xf32, #tpu.memory_space<vmem>> -> memref<1x128x128xf32, #tpu.memory_space<vmem>>
      %dma_wait3A_218 = tpu.memref_squeeze %dma_wait3A_217 : memref<1x128x128xf32, #tpu.memory_space<vmem>> -> memref<128x128xf32, #tpu.memory_space<vmem>>
      %dma_wait3A_219 = tpu.memref_slice %arg5[%mul3A_213] : memref<16384xi32, #tpu.memory_space<vmem>> -> memref<128xi32, #tpu.memory_space<vmem>>
      %dma_wait3A_220 = arith.constant 0 : i32
      %dma_wait3A_221 = arith.constant 0 : i32
      %dma_wait3A_222 = tpu.memref_slice %arg6[%dma_wait3A_220, %dma_wait3A_221] : memref<21x128xf32, #tpu.memory_space<vmem_shared>> -> memref<21x128xf32, #tpu.memory_space<vmem_shared>>
      tpu.wait_indirect_dma semaphore(%arg9 : memref<!tpu.dma_semaphore, #tpu.memory_space<semaphore_mem>>) src(%dma_wait3A_222 : memref<21x128xf32, #tpu.memory_space<vmem_shared>>) dst(%dma_wait3A_218 : memref<128x128xf32, #tpu.memory_space<vmem>>)
      %mul3A_223 = arith.constant 128 : i32
      %mul3A_224 = arith.muli %add3A_211, %mul3A_223 : i32
      %add3A_225 = arith.addi %mul3A_2, %mul3A_224 : i32
      %dma_start3A_226 = arith.constant 3 : i32
      %dma_start3A_227 = arith.constant 0 : i32
      %dma_start3A_228 = arith.constant 0 : i32
      %dma_start3A_229 = tpu.memref_slice %arg7[%dma_start3A_226, %dma_start3A_227, %dma_start3A_228] : memref<4x128x128xf32, #tpu.memory_space<vmem>> -> memref<1x128x128xf32, #tpu.memory_space<vmem>>
      %dma_start3A_230 = tpu.memref_squeeze %dma_start3A_229 : memref<1x128x128xf32, #tpu.memory_space<vmem>> -> memref<128x128xf32, #tpu.memory_space<vmem>>
      %dma_start3A_231 = arith.constant 0 : i32
      %dma_start3A_232 = tpu.memref_slice %arg4[%add3A_225, %dma_start3A_231] : memref<524288x128xf32, #tpu.memory_space<hbm>> -> memref<128x128xf32, #tpu.memory_space<hbm>>
      %dma_start3A_233 = arith.constant 0 : i32
      %dma_start3A_234 = tpu.memref_slice %arg4[%add3A_225, %dma_start3A_233] : memref<524288x128xf32, #tpu.memory_space<hbm>> -> memref<128x128xf32, #tpu.memory_space<hbm>>
      %dma_start3A_235 = arith.constant 0 : i32
      %dma_start3A_236 = arith.constant 0 : i32
      %dma_start3A_237 = tpu.memref_slice %arg7[%dma_start3A_226, %dma_start3A_235, %dma_start3A_236] : memref<4x128x128xf32, #tpu.memory_space<vmem>> -> memref<1x128x128xf32, #tpu.memory_space<vmem>>
      %dma_start3A_238 = tpu.memref_squeeze %dma_start3A_237 : memref<1x128x128xf32, #tpu.memory_space<vmem>> -> memref<128x128xf32, #tpu.memory_space<vmem>>
      tpu.enqueue_dma source(%dma_start3A_238 : memref<128x128xf32, #tpu.memory_space<vmem>>) target(%dma_start3A_234 : memref<128x128xf32, #tpu.memory_space<hbm>>) target_semaphore(%arg10 : memref<!tpu.dma_semaphore, #tpu.memory_space<semaphore_mem>>)
      %sub3A_239 = arith.constant 1 : i32
      %sub3A_240 = arith.subi %add3A_211, %sub3A_239 : i32
      %mul3A_241 = arith.constant 128 : i32
      %mul3A_242 = arith.muli %sub3A_240, %mul3A_241 : i32
      %add3A_243 = arith.addi %mul3A_2, %mul3A_242 : i32
      %dma_wait3A_244 = arith.constant 2 : i32
      %dma_wait3A_245 = arith.constant 0 : i32
      %dma_wait3A_246 = arith.constant 0 : i32
      %dma_wait3A_247 = tpu.memref_slice %arg7[%dma_wait3A_244, %dma_wait3A_245, %dma_wait3A_246] : memref<4x128x128xf32, #tpu.memory_space<vmem>> -> memref<1x128x128xf32, #tpu.memory_space<vmem>>
      %dma_wait3A_248 = tpu.memref_squeeze %dma_wait3A_247 : memref<1x128x128xf32, #tpu.memory_space<vmem>> -> memref<128x128xf32, #tpu.memory_space<vmem>>
      %dma_wait3A_249 = arith.constant 0 : i32
      %dma_wait3A_250 = tpu.memref_slice %arg4[%add3A_243, %dma_wait3A_249] : memref<524288x128xf32, #tpu.memory_space<hbm>> -> memref<128x128xf32, #tpu.memory_space<hbm>>
      %dma_wait3A_251 = arith.constant 0 : i32
      %dma_wait3A_252 = tpu.memref_slice %arg4[%add3A_243, %dma_wait3A_251] : memref<524288x128xf32, #tpu.memory_space<hbm>> -> memref<128x128xf32, #tpu.memory_space<hbm>>
      %dma_wait3A_253 = arith.constant 0 : i32
      %dma_wait3A_254 = arith.constant 0 : i32
      %dma_wait3A_255 = tpu.memref_slice %arg7[%dma_wait3A_244, %dma_wait3A_253, %dma_wait3A_254] : memref<4x128x128xf32, #tpu.memory_space<vmem>> -> memref<1x128x128xf32, #tpu.memory_space<vmem>>
      %dma_wait3A_256 = tpu.memref_squeeze %dma_wait3A_255 : memref<1x128x128xf32, #tpu.memory_space<vmem>> -> memref<128x128xf32, #tpu.memory_space<vmem>>
      tpu.wait_dma2 semaphore(%arg10 : memref<!tpu.dma_semaphore, #tpu.memory_space<semaphore_mem>>) src(%dma_wait3A_256 : memref<128x128xf32, #tpu.memory_space<vmem>>) dst(%dma_wait3A_252 : memref<128x128xf32, #tpu.memory_space<hbm>>)
      %add3A_257 = arith.constant 3 : i32
      %add3A_258 = arith.addi %add3A_211, %add3A_257 : i32
      %lt3A_259 = arith.constant 128 : i32
      %lt3A_260 = arith.cmpi slt, %add3A_258, %lt3A_259 : i32
      %convert_element_type3A_261 = arith.extui %lt3A_260 : i1 to i32
      %cond3A_262 = arith.constant 0 : i32
      %cond3A_263 = arith.cmpi ne, %convert_element_type3A_261, %cond3A_262 : i32
      scf.if %cond3A_263 {
        %mul3A_264 = arith.constant 128 : i32
        %mul3A_265 = arith.muli %add3A_258, %mul3A_264 : i32
        %dma_start3A_266 = arith.constant 2 : i32
        %dma_start3A_267 = arith.constant 0 : i32
        %dma_start3A_268 = arith.constant 0 : i32
        %dma_start3A_269 = tpu.memref_slice %arg7[%dma_start3A_266, %dma_start3A_267, %dma_start3A_268] : memref<4x128x128xf32, #tpu.memory_space<vmem>> -> memref<1x128x128xf32, #tpu.memory_space<vmem>>
        %dma_start3A_270 = tpu.memref_squeeze %dma_start3A_269 : memref<1x128x128xf32, #tpu.memory_space<vmem>> -> memref<128x128xf32, #tpu.memory_space<vmem>>
        %dma_start3A_271 = tpu.memref_slice %arg5[%mul3A_265] : memref<16384xi32, #tpu.memory_space<vmem>> -> memref<128xi32, #tpu.memory_space<vmem>>
        %dma_start3A_272 = arith.constant 0 : i32
        %dma_start3A_273 = arith.constant 0 : i32
        %dma_start3A_274 = tpu.memref_slice %arg6[%dma_start3A_272, %dma_start3A_273] : memref<21x128xf32, #tpu.memory_space<vmem_shared>> -> memref<21x128xf32, #tpu.memory_space<vmem_shared>>
        tpu.enqueue_indirect_dma source(%dma_start3A_274 : memref<21x128xf32, #tpu.memory_space<vmem_shared>>) target(%dma_start3A_270 : memref<128x128xf32, #tpu.memory_space<vmem>>) offsets(%dma_start3A_271 : memref<128xi32, #tpu.memory_space<vmem>>) semaphore(%arg9 : memref<!tpu.dma_semaphore, #tpu.memory_space<semaphore_mem>>)
      } else {
      }
    }
    %scan3A_42 = arith.constant 32 : i32
    %add3A_43 = arith.constant 16256 : i32
    %add3A_44 = arith.addi %mul3A_2, %add3A_43 : i32
    %dma_wait3A = arith.constant 3 : i32
    %dma_wait3A_45 = arith.constant 0 : i32
    %dma_wait3A_46 = arith.constant 0 : i32
    %dma_wait3A_47 = tpu.memref_slice %arg7[%dma_wait3A, %dma_wait3A_45, %dma_wait3A_46] : memref<4x128x128xf32, #tpu.memory_space<vmem>> -> memref<1x128x128xf32, #tpu.memory_space<vmem>>
    %dma_wait3A_48 = tpu.memref_squeeze %dma_wait3A_47 : memref<1x128x128xf32, #tpu.memory_space<vmem>> -> memref<128x128xf32, #tpu.memory_space<vmem>>
    %dma_wait3A_49 = arith.constant 0 : i32
    %dma_wait3A_50 = tpu.memref_slice %arg4[%add3A_44, %dma_wait3A_49] : memref<524288x128xf32, #tpu.memory_space<hbm>> -> memref<128x128xf32, #tpu.memory_space<hbm>>
    %dma_wait3A_51 = arith.constant 0 : i32
    %dma_wait3A_52 = tpu.memref_slice %arg4[%add3A_44, %dma_wait3A_51] : memref<524288x128xf32, #tpu.memory_space<hbm>> -> memref<128x128xf32, #tpu.memory_space<hbm>>
    %dma_wait3A_53 = arith.constant 0 : i32
    %dma_wait3A_54 = arith.constant 0 : i32
    %dma_wait3A_55 = tpu.memref_slice %arg7[%dma_wait3A, %dma_wait3A_53, %dma_wait3A_54] : memref<4x128x128xf32, #tpu.memory_space<vmem>> -> memref<1x128x128xf32, #tpu.memory_space<vmem>>
    %dma_wait3A_56 = tpu.memref_squeeze %dma_wait3A_55 : memref<1x128x128xf32, #tpu.memory_space<vmem>> -> memref<128x128xf32, #tpu.memory_space<vmem>>
    tpu.wait_dma2 semaphore(%arg10 : memref<!tpu.dma_semaphore, #tpu.memory_space<semaphore_mem>>) src(%dma_wait3A_56 : memref<128x128xf32, #tpu.memory_space<vmem>>) dst(%dma_wait3A_52 : memref<128x128xf32, #tpu.memory_space<hbm>>)
    return
  }
}

module attributes {stable_mosaic.version = 14 : i64} {
  func.func @_table_body(%arg0: memref<21x6xf32, #tpu.memory_space<vmem>>, %arg1: memref<6x128xf32, #tpu.memory_space<vmem>>, %arg2: memref<1x128xf32, #tpu.memory_space<vmem>>, %arg3: memref<1x128xf32, #tpu.memory_space<vmem>>, %arg4: memref<1x128xf32, #tpu.memory_space<vmem>>, %arg5: memref<21x128xf32, #tpu.memory_space<vmem>>) attributes {dimension_semantics = [], scalar_prefetch = 0 : i64, scratch_operands = 0 : i64, tpu.core_type = #tpu.core_type<tc>} {
    %broadcast_in_dim3A = arith.constant 0.000000e+00 : f32
    %broadcast_in_dim3A_0 = vector.broadcast %broadcast_in_dim3A : f32 to vector<21x128xf32>
    %get3A = arith.constant 0 : index
    %get3A_1 = arith.constant 0 : index
    %get3A_2 = vector.load %arg0[%get3A, %get3A_1] : memref<21x6xf32, #tpu.memory_space<vmem>>, vector<21x1xf32>
    %get3A_3 = arith.constant 0 : index
    %get3A_4 = arith.constant 0 : index
    %get3A_5 = vector.load %arg1[%get3A_3, %get3A_4] : memref<6x128xf32, #tpu.memory_space<vmem>>, vector<1x128xf32>
    %mul3A = vector.broadcast %get3A_2 : vector<21x1xf32> to vector<21x128xf32>
    %mul3A_6 = vector.broadcast %get3A_5 : vector<1x128xf32> to vector<21x128xf32>
    %mul3A_7 = arith.mulf %mul3A, %mul3A_6 : vector<21x128xf32>
    %add3A = arith.addf %broadcast_in_dim3A_0, %mul3A_7 : vector<21x128xf32>
    %get3A_8 = arith.constant 0 : index
    %get3A_9 = arith.constant 1 : index
    %get3A_10 = vector.load %arg0[%get3A_8, %get3A_9] : memref<21x6xf32, #tpu.memory_space<vmem>>, vector<21x1xf32>
    %get3A_11 = arith.constant 1 : index
    %get3A_12 = arith.constant 0 : index
    %get3A_13 = vector.load %arg1[%get3A_11, %get3A_12] : memref<6x128xf32, #tpu.memory_space<vmem>>, vector<1x128xf32>
    %mul3A_14 = vector.broadcast %get3A_10 : vector<21x1xf32> to vector<21x128xf32>
    %mul3A_15 = vector.broadcast %get3A_13 : vector<1x128xf32> to vector<21x128xf32>
    %mul3A_16 = arith.mulf %mul3A_14, %mul3A_15 : vector<21x128xf32>
    %add3A_17 = arith.addf %add3A, %mul3A_16 : vector<21x128xf32>
    %get3A_18 = arith.constant 0 : index
    %get3A_19 = arith.constant 2 : index
    %get3A_20 = vector.load %arg0[%get3A_18, %get3A_19] : memref<21x6xf32, #tpu.memory_space<vmem>>, vector<21x1xf32>
    %get3A_21 = arith.constant 2 : index
    %get3A_22 = arith.constant 0 : index
    %get3A_23 = vector.load %arg1[%get3A_21, %get3A_22] : memref<6x128xf32, #tpu.memory_space<vmem>>, vector<1x128xf32>
    %mul3A_24 = vector.broadcast %get3A_20 : vector<21x1xf32> to vector<21x128xf32>
    %mul3A_25 = vector.broadcast %get3A_23 : vector<1x128xf32> to vector<21x128xf32>
    %mul3A_26 = arith.mulf %mul3A_24, %mul3A_25 : vector<21x128xf32>
    %add3A_27 = arith.addf %add3A_17, %mul3A_26 : vector<21x128xf32>
    %get3A_28 = arith.constant 0 : index
    %get3A_29 = arith.constant 3 : index
    %get3A_30 = vector.load %arg0[%get3A_28, %get3A_29] : memref<21x6xf32, #tpu.memory_space<vmem>>, vector<21x1xf32>
    %get3A_31 = arith.constant 3 : index
    %get3A_32 = arith.constant 0 : index
    %get3A_33 = vector.load %arg1[%get3A_31, %get3A_32] : memref<6x128xf32, #tpu.memory_space<vmem>>, vector<1x128xf32>
    %mul3A_34 = vector.broadcast %get3A_30 : vector<21x1xf32> to vector<21x128xf32>
    %mul3A_35 = vector.broadcast %get3A_33 : vector<1x128xf32> to vector<21x128xf32>
    %mul3A_36 = arith.mulf %mul3A_34, %mul3A_35 : vector<21x128xf32>
    %add3A_37 = arith.addf %add3A_27, %mul3A_36 : vector<21x128xf32>
    %get3A_38 = arith.constant 0 : index
    %get3A_39 = arith.constant 4 : index
    %get3A_40 = vector.load %arg0[%get3A_38, %get3A_39] : memref<21x6xf32, #tpu.memory_space<vmem>>, vector<21x1xf32>
    %get3A_41 = arith.constant 4 : index
    %get3A_42 = arith.constant 0 : index
    %get3A_43 = vector.load %arg1[%get3A_41, %get3A_42] : memref<6x128xf32, #tpu.memory_space<vmem>>, vector<1x128xf32>
    %mul3A_44 = vector.broadcast %get3A_40 : vector<21x1xf32> to vector<21x128xf32>
    %mul3A_45 = vector.broadcast %get3A_43 : vector<1x128xf32> to vector<21x128xf32>
    %mul3A_46 = arith.mulf %mul3A_44, %mul3A_45 : vector<21x128xf32>
    %add3A_47 = arith.addf %add3A_37, %mul3A_46 : vector<21x128xf32>
    %get3A_48 = arith.constant 0 : index
    %get3A_49 = arith.constant 5 : index
    %get3A_50 = vector.load %arg0[%get3A_48, %get3A_49] : memref<21x6xf32, #tpu.memory_space<vmem>>, vector<21x1xf32>
    %get3A_51 = arith.constant 5 : index
    %get3A_52 = arith.constant 0 : index
    %get3A_53 = vector.load %arg1[%get3A_51, %get3A_52] : memref<6x128xf32, #tpu.memory_space<vmem>>, vector<1x128xf32>
    %mul3A_54 = vector.broadcast %get3A_50 : vector<21x1xf32> to vector<21x128xf32>
    %mul3A_55 = vector.broadcast %get3A_53 : vector<1x128xf32> to vector<21x128xf32>
    %mul3A_56 = arith.mulf %mul3A_54, %mul3A_55 : vector<21x128xf32>
    %add3A_57 = arith.addf %add3A_47, %mul3A_56 : vector<21x128xf32>
    %get3A_58 = arith.constant 0 : index
    %get3A_59 = arith.constant 0 : index
    %get3A_60 = vector.load %arg2[%get3A_58, %get3A_59] : memref<1x128xf32, #tpu.memory_space<vmem>>, vector<1x128xf32>
    %sub3A = vector.broadcast %get3A_60 : vector<1x128xf32> to vector<21x128xf32>
    %sub3A_61 = arith.subf %add3A_57, %sub3A : vector<21x128xf32>
    %get3A_62 = arith.constant 0 : index
    %get3A_63 = arith.constant 0 : index
    %get3A_64 = vector.load %arg3[%get3A_62, %get3A_63] : memref<1x128xf32, #tpu.memory_space<vmem>>, vector<1x128xf32>
    %mul3A_65 = vector.broadcast %get3A_64 : vector<1x128xf32> to vector<21x128xf32>
    %mul3A_66 = arith.mulf %sub3A_61, %mul3A_65 : vector<21x128xf32>
    %integer_pow3A = arith.mulf %mul3A_66, %mul3A_66 : vector<21x128xf32>
    %neg3A = arith.constant 0.000000e+00 : f32
    %neg3A_67 = vector.broadcast %neg3A : f32 to vector<21x128xf32>
    %neg3A_68 = arith.subf %neg3A_67, %integer_pow3A : vector<21x128xf32>
    %exp3A = math.exp %neg3A_68 : vector<21x128xf32>
    %mul3A_69 = arith.constant 6.000000e+00 : f32
    %mul3A_70 = vector.broadcast %mul3A_69 : f32 to vector<21x128xf32>
    %mul3A_71 = arith.mulf %add3A_57, %mul3A_70 : vector<21x128xf32>
    %sub3A_72 = arith.constant 3.000000e+00 : f32
    %sub3A_73 = vector.broadcast %sub3A_72 : f32 to vector<21x128xf32>
    %sub3A_74 = arith.subf %mul3A_71, %sub3A_73 : vector<21x128xf32>
    %logistic3A = arith.negf %sub3A_74 : vector<21x128xf32>
    %logistic3A_75 = math.exp %logistic3A : vector<21x128xf32>
    %logistic3A_76 = arith.constant 1.000000e+00 : f32
    %logistic3A_77 = vector.broadcast %logistic3A_76 : f32 to vector<21x128xf32>
    %logistic3A_78 = arith.addf %logistic3A_77, %logistic3A_75 : vector<21x128xf32>
    %logistic3A_79 = arith.divf %logistic3A_77, %logistic3A_78 : vector<21x128xf32>
    %get3A_80 = arith.constant 0 : index
    %get3A_81 = arith.constant 0 : index
    %get3A_82 = vector.load %arg4[%get3A_80, %get3A_81] : memref<1x128xf32, #tpu.memory_space<vmem>>, vector<1x128xf32>
    %gt3A = arith.constant 0.000000e+00 : f32
    %gt3A_83 = vector.broadcast %gt3A : f32 to vector<1x128xf32>
    %gt3A_84 = arith.cmpf ogt, %get3A_82, %gt3A_83 : vector<1x128xf32>
    %broadcast_in_dim3A_85 = vector.shape_cast %gt3A_84 : vector<1x128xi1> to vector<1x128xi1>
    %broadcast_in_dim3A_86 = vector.broadcast %broadcast_in_dim3A_85 : vector<1x128xi1> to vector<21x128xi1>
    %select_n3A = arith.select %broadcast_in_dim3A_86, %logistic3A_79, %exp3A : vector<21x128xi1>, vector<21x128xf32>
    %swap3A = arith.constant 0 : index
    %swap3A_87 = arith.constant 0 : index
    %swap3A_88 = vector.load %arg5[%swap3A, %swap3A_87] : memref<21x128xf32, #tpu.memory_space<vmem>>, vector<21x128xf32>
    tpu.vector_store %arg5[%swap3A, %swap3A_87], %select_n3A {strides = array<i32>} : memref<21x128xf32, #tpu.memory_space<vmem>>, vector<21x128xf32>,
    return
  }
}

</mosaic_0001>

<sc_bundles>
// kernel: kernel.4.cloned.1.call-start
scs
__scs_entry_jumppad:
0x0: {  	(pc) =	sbr.rel $0x88, $3  }
0x1: {  	(tag) =	ssettag $0x0;
	lr =	simm.s32 $0x1  }
0x2: {  	[smem:$0x3F9F] =	sst lr;
	_ =	strace $0xD0000000  }
0x3: {  	_ = 	snop  }
0x4: {  	_ = 	snop  }
0x5: {  	_ = 	snop  }
0x6: {  	_ = 	snop  }
0x7: {  	_ = 	snop  }
__scs_overlays_trampoline_lowered:
0x8: {  	[smem:$0x3FAE] =	sst s0  }
0x9: {  	[smem:$0x3FAF] =	sst s1  }
0xa: {  	[smem:$0x3FB0] =	sst s2  }
0xb: {  	[smem:$0x3FB1] =	sst s3  }
0xc: {  	[smem:$0x3FB2] =	sst s4  }
0xd: {  	[smem:$0x3FB3] =	sst s5  }
0xe: {  	[smem:$0x3FB4] =	sst s6  }
0xf: {  	[smem:$0x3FB5] =	sst s7  }
0x10: {  	[smem:$0x3FB6] =	sst s8  }
0x11: {  	[smem:$0x3FB7] =	sst s9;
	s0 =	simm.s32 @!p0 $0x0  }
0x12: {  	s1 =	sld [smem:$0x3F9D];
	s0 =	simm.s32 @p0 $0x1  }
0x13: {  	[smem:$0x3FB8] =	sst s0;
	s0 =	simm.s32 @!p1 $0x0  }
0x14: {  	s2 =	sld [smem:$0x3F9C];
	s0 =	simm.s32 @p1 $0x1  }
0x15: {  	[smem:$0x3FB9] =	sst s0;
	s0 =	simm.s32 @!p2 $0x0  }
0x16: {  	s3 =	sld [smem:$0x3FDB];
	s0 =	simm.s32 @p2 $0x1  }
0x17: {  	s4 =	simm.s32 $0x1BF5;
	[smem:$0x3FBB] =	sst s0  }
0x18: {  	s0 =	sld [smem:$0x3F9E];
	_ =	swait.ge [sflag:s4], $0x0  }
0x19: {  	s7 =	sld [smem:$0x3F9F]  }
0x1a: {  	s8 =	sadd.s32 $0xFFFFE003, lr  }
0x1b: {  	s9 =	sadd.s32 $0xFFFFFEF7, lr;
	s5 =	simm.s32 $0xFFFFFFFF;
	p2 =	slt.u32 s8, $0xFFFFF086  }
0x1c: {  	p1 =	slt.u32 s9, $0xF7A;
	s5 =	simm.s32 @!p2 $0x0  }
0x1d: {  	s5 =	simm.s32 @p1 $0x1;
	p0 =	seq.s32 s7, s2  }
0x1e: {  	s7 =	smul.u32 @!p0 $0xF7A, s2;
	p2 =	seq.s32 @!p0 s5, $0x0  }
0x1f: {  	s9 =	smul.u32 $0xF7A, s1;
	s8 =	simm.s32 @!p0 $0x1BF5;
	p2 =	por !p2, p0  }
0x20: {  	[sflag:s8] =	ssyncset.s32 @!p0 $0xFFFFF086;
	s6 =	sadd.s32 @!p0 s3, s7;
	s7 =	simm.s32 @!p0 $0x108  }
0x21: {  	s3 =	sadd.s32 s3, s9;
	s6 =	sadd.s32 @!p0 $0x88, s6;
	s7 =	simm.s32 @p2 $0x1082  }
0x22: {  	[simem:s7], [sflag:s8] =	dma.local @!p0 [hbm:s6], $0xF7A  }
0x23: {  	s9 =	sor.u32 $0xD0000000, s2;
	s6 =	simm.s32 $0x108;
	_ =	swait.ge @!p0 [sflag:s8], $0x0  }
0x24: {  	s3 =	sadd.s32 $0x88, s3;
	s6 =	simm.s32 @!p1 $0x1082;
	[sflag:s4] =	ssyncset.s32 $0xFFFFF086  }
0x25: {  	[simem:s6], [sflag:s4] =	dma.local [hbm:s3], $0xF7A  }
0x26: {  	[smem:$0x3F9F] =	sst s1;
	(tag) =	ssettag s2;
	_ =	strace s9  }
0x27: {  	s1 =	sld [smem:$0x3FAF]  }
0x28: {  	s2 =	sld [smem:$0x3FB0]  }
0x29: {  	s4 =	sld [smem:$0x3FB2]  }
0x2a: {  	p0 =	seq.s32 s5, $0x0;
	s5 =	sld [smem:$0x3FB3]  }
0x2b: {  	s6 =	sld [smem:$0x3FB4]  }
0x2c: {  	s7 =	sld [smem:$0x3FB5]  }
0x2d: {  	s3 =	simm.s32 $0x108;
	s8 =	sld [smem:$0x3FB6]  }
0x2e: {  	s3 =	simm.s32 @!p0 $0x1082;
	s9 =	sld [smem:$0x3FB7]  }
0x2f: {  	lr =	sadd.s32 s0, s3;
	s0 =	sld [smem:$0x3FAE]  }
0x30: {  	s3 =	sld [smem:$0x3FB1]  }
0x31: {  	[smem:$0x3FBA] =	sst s10  }
0x32: {  	s10 =	sld [smem:$0x3FB8];
	_ =	sdelay $0x3  }
0x33: {  	p0 =	seq.s32 s10, $0x1;
	s10 =	sld [smem:$0x3FBA];
	_ =	sdelay $0x3  }
0x34: {  	[smem:$0x3FBA] =	sst s10  }
0x35: {  	s10 =	sld [smem:$0x3FB9];
	_ =	sdelay $0x3  }
0x36: {  	p1 =	seq.s32 s10, $0x1;
	s10 =	sld [smem:$0x3FBA];
	_ =	sdelay $0x3  }
0x37: {  	[smem:$0x3FBA] =	sst s10  }
0x38: {  	s10 =	sld [smem:$0x3FBB]  }
0x39: {  	_ = 	snop;
	(pc) =	sbr.ind lr, $3  }
0x3a: {  	_ = 	snop  }
0x3b: {  	_ = 	snop  }
0x3c: {  	p2 =	seq.s32 s10, $0x1;
	s10 =	sld [smem:$0x3FBA]  }
0x3d: {  	_ =	shalt  }
0x3e: {  	_ =	shalt  }
0x3f: {  	_ =	shalt  }
0x40: {  	_ =	shalt  }
0x41: {  	_ =	shalt  }
0x42: {  	_ =	shalt  }
0x43: {  	_ =	shalt  }
0x44: {  	_ =	shalt  }
0x45: {  	_ =	shalt  }
0x46: {  	_ =	shalt  }
0x47: {  	_ =	shalt  }
0x48: {  	_ =	shalt  }
0x49: {  	_ =	shalt  }
0x4a: {  	_ =	shalt  }
0x4b: {  	_ =	shalt  }
0x4c: {  	_ =	shalt  }
0x4d: {  	_ =	shalt  }
0x4e: {  	_ =	shalt  }
0x4f: {  	_ =	shalt  }
0x50: {  	_ =	shalt  }
0x51: {  	_ =	shalt  }
0x52: {  	_ =	shalt  }
0x53: {  	_ =	shalt  }
0x54: {  	_ =	shalt  }
0x55: {  	_ =	shalt  }
0x56: {  	_ =	shalt  }
0x57: {  	_ =	shalt  }
0x58: {  	_ =	shalt  }
0x59: {  	_ =	shalt  }
0x5a: {  	_ =	shalt  }
0x5b: {  	_ =	shalt  }
0x5c: {  	_ =	shalt  }
0x5d: {  	_ =	shalt  }
0x5e: {  	_ =	shalt  }
0x5f: {  	_ =	shalt  }
0x60: {  	_ =	shalt  }
0x61: {  	_ =	shalt  }
0x62: {  	_ =	shalt  }
0x63: {  	_ =	shalt  }
0x64: {  	_ =	shalt  }
0x65: {  	_ =	shalt  }
0x66: {  	_ =	shalt  }
0x67: {  	_ =	shalt  }
0x68: {  	_ =	shalt  }
0x69: {  	_ =	shalt  }
0x6a: {  	_ =	shalt  }
0x6b: {  	_ =	shalt  }
0x6c: {  	_ =	shalt  }
0x6d: {  	_ =	shalt  }
0x6e: {  	_ =	shalt  }
0x6f: {  	_ =	shalt  }
0x70: {  	_ =	shalt  }
0x71: {  	_ =	shalt  }
0x72: {  	_ =	shalt  }
0x73: {  	_ =	shalt  }
0x74: {  	_ =	shalt  }
0x75: {  	_ =	shalt  }
0x76: {  	_ =	shalt  }
0x77: {  	_ =	shalt  }
0x78: {  	_ =	shalt  }
0x79: {  	_ =	shalt  }
0x7a: {  	_ =	shalt  }
0x7b: {  	_ =	shalt  }
0x7c: {  	_ =	shalt  }
0x7d: {  	_ =	shalt  }
0x7e: {  	_ =	shalt  }
0x7f: {  	_ =	shalt  }
0x80: {  	_ =	shalt  }
0x81: {  	_ =	shalt  }
0x82: {  	_ =	shalt  }
0x83: {  	_ =	shalt  }
0x84: {  	_ =	shalt  }
0x85: {  	_ =	shalt  }
0x86: {  	_ =	shalt  }
0x87: {  	_ =	shalt  }
.Lfunc_end0:
.L_simem_size_0:
called_computation.1_lowered:
.L_overlay_start_0:
0x88: {  	s2 =	sld [smem:$0x3FD9]  }
0x89: {  	s3 =	sld [smem:$0x3FFE];
	_ =	sdelay $0x1  }
0x8a: {  	s1 =	srdreg.scid  }
0x8b: {  	s0 =	sand.u32 $0x1, s1  }
0x8c: {  	s17 =	sshll.u32 s0, $0xA;
	s2 =	sadd.s32 s3, s2  }
0x8d: {  	s2 =	sadd.s32 s2, s17  }
0x8e: {  	[smem:$0x3FC6] =	sst s2  }
0x8f: {  	_ = 	snop  }
0x90: {  	s2 =	sld [smem:$0x3FD0];
	(tm) =	ssettm $0x1  }
0x91: {  	s18 =	sld [smem:$0x3FFB];
	_ =	sdelay $0x3  }
0x92: {  	_ =	strace s18  }
0x93: {  	s3 =	sld [smem:$0x3FFC];
	_ =	sdelay $0x3  }
0x94: {  	_ =	strace s3  }
0x95: {  	s3 =	sld [smem:$0x3FFD];
	_ =	sdelay $0x3  }
0x96: {  	_ =	strace s3  }
0x97: {  	_ =	strace $0x8FFFFFFF  }
0x98: {  	s19 =	sld [smem:$0x3FDB];
	_ =	sdelay $0x1  }
0x99: {  	s4 =	simm.s32 $_scs_section_size  }
0x9a: {  	s5 =	simm.s32 $_size__tile_overlayer_lowered;
	s6 =	simm.s32 $_tile_overlayer_lowered  }
0x9b: {  	s22 =	simm.s32 $0x1BFF;
	s21 =	sshll.u32 s6, $0x1;
	s3 =	sadd.s32 s4, s19  }
0x9c: {  	s7 =	simm.s32 $0x0;
	s20 =	sshll.u32 s5, $0x1;
	s5 =	sadd.s32 s21, s3  }
0x9d: {  	[timem:s7], [sflag:s22] =	dma.local [hbm:s5], s20  }
0x9e: {  	_ =	swait.ge [sflag:s22], s20  }
0x9f: {  	s4 =	ssub.s32 $0x0, s20;
	[sflag:s22] =	ssyncset.done $0x0  }
0xa0: {  	[sflag:s22] =	ssyncadd.s32 s4;
	_ =	sdelay $0x1  }
0xa1: {  	s23 =	simm.s32 $0x1B8B  }
0xa2: {  	_ =	swait.ge [sflag:s23], $0x1  }
0xa3: {  	[sflag:s23] =	ssyncset.done $0x0  }
0xa4: {  	s25 =	simm.s32 $0x1B8E;
	s24 =	sld [smem:$0x3FFE];
	[sflag:s23] =	ssyncadd.s32 $0xFFFFFFFF  }
0xa5: {  	s26 =	simm.s32 $execute0_lowered;
	[smem:$0x3FD2] =	sst s25  }
0xa6: {  	s5 =	sshll.u32 s26, $0x1;
	_ =	strace $0x80000046;
	[dreg:$0x1] =	wrdreg $0xFFFFFFFF  }
0xa7: {  	s28 =	simm.s32 $_size_execute0_lowered;
	s3 =	sadd.s32 s3, s5;
	[dreg:$0x0] =	wrdreg $0x0  }
0xa8: {  	s5 =	sshll.u32 s28, $0x1;
	[dreg:$0x2] =	wrdreg s3  }
0xa9: {  	[dreg:$0x3] =	wrdreg s5  }
0xaa: {  	[dreg:$0x4] =	wrdreg $0xC0  }
0xab: {  	_ =	task [dreg:s7], $0x5FFFF  }
0xac: {  	[dreg:$0x1] =	wrdreg $0xFFFFFFFF  }
0xad: {  	[dreg:$0x0] =	wrdreg $0x60  }
0xae: {  	[dreg:$0x2] =	wrdreg s24  }
0xaf: {  	[dreg:$0x3] =	wrdreg s2  }
0xb0: {  	[dreg:$0x4] =	wrdreg $0x40000  }
0xb1: {  	[dreg:$0x5] =	wrdreg $0x9  }
0xb2: {  	_ =	task.clear_ibuf [dreg:s7], $0x6FFFF;
	_ =	strace $0x90000046  }
0xb3: {  	s29 =	simm.s32 $0x9;
	_ =	strace $0x80000048  }
0xb4: {  	_ =	swait.ge [sflag:s29], $0x1  }
0xb5: {  	[sflag:s29] =	ssyncadd.s32 $0xFFFFFFFF  }
0xb6: {  	_ =	strace $0x90000048  }
0xb7: {  	_ =	sfence  }
0xb8: {  	s30 =	sld [smem:$0x0];
	_ =	sdelay $0x2  }
0xb9: {  	s31 =	sshll.u32 s1, $0xD;
	s1 =	sshrl.u32 s1, $0x2  }
0xba: {  	s3 =	sand.u32 $0x4000, s31;
	s1 =	sadd.s32 s1, s30  }
0xbb: {  	s0 =	sor.u32 s3, s0;
	s1 =	sshll.u32 s1, $0x11  }
0xbc: {  	s0 =	sor.u32 s1, s0  }
0xbd: {  	s0 =	sadd.s32 $0x8F2B, s0  }
0xbe: {  	[sflag:s0] =	ssyncadd.remote.s32 $0x1  }
0xbf: {  	_ =	sfence.sel $0xFFFF  }
0xc0: {  	[dreg:$0x0] =	wrdreg $0xFFFFFFFF;
	(pc) =	sbr.abs _section_cstart, $3  }
0xc1: {  	[dreg:$0x1] =	wrdreg $0xFFFFFFFF  }
0xc2: {  	_ =	task.clear_ibuf [dreg:s7], $0x2FFFF;
	_ =	strace $0x9FFFFFFF  }
0xc3: {  	(tm) =	ssettm $0x7FFFFFFF  }
tec
execute0_lowered:
.L_overlay_start_1:
0x0: {  	(tag) =	ssettag $0x1  }
0x1: {  	s4 =	rddreg [dreg:$0x0]  }
0x2: {  	s5 =	rddreg [dreg:$0x1]  }
0x3: {  	s1 =	rddreg [dreg:$0x2];
	s2 =	simm.s32 $0x0;
	s3 =	srdreg.scid  }
0x4: {  	s11 =	stileid.u32;
	s14 =	simm.s32 $0x40A8;
	s15 =	simm.s32 $0x80A8  }
0x5: {  	s17 =	simm.s32 $0xC0A8;
	s18 =	simm.s32 $0x2;
	s19 =	simm.s32 $0x180  }
0x6: {  	s20 =	simm.s32 $0x100A8;
	s21 =	simm.s32 $0x3;
	s22 =	simm.s32 $0x200  }
0x7: {  	s23 =	simm.s32 $0x280;
	s24 =	simm.s32 $0x300;
	s25 =	simm.s32 $0x0  }
0x8: {  	[smem:$0x7FF] =	sst s2;
	s10 =	sand.u32 $0x1, s3;
	s3 =	sadd.s32 $0x1200, s4  }
0x9: {  	s8 =	sshll.u32 s11, $0xF;
	s12 =	sadd.s32 $0x1400, s4;
	s13 =	sshll.u32 s11, $0x13  }
0xa: {  	p0 =	sne.s32 s11, $0x0;
	_ =	strace $0x80000047;
	s6 =	ssub.s32 $0x2, s10  }
0xb: {  	s9 =	sshll.u32 s10, $0xE;
	s30 =	sshll.u32 s10, $0xB;
	s7 =	sshrl.u32 s6, $0x1  }
0xc: {  	s31 =	sshll.u32 s10, $0x12;
	s28 =	sor.u32 s9, s8;
	s7 =	ssub.s32 s6, s7  }
.Ltmp0:
0xd: {  	s29 =	sshrl.u32 s28, $0x3;
	s9 =	sshll.u32 s28, $0x4;
	(pc) =	sbr.rel .LBB2_1-.Ltmp0, $4  }
0xe: {  	s4 =	sadd.s32 s5, s29;
	s5 =	sadd.s32 s5, s30;
	s6 =	sadd.s32 s12, s9  }
0xf: {  	s7 =	smax.u32 s7, $0x1;
	s12 =	sadd.s32 s13, s12;
	s13 =	simm.s32 $0x80  }
0x10: {  	s8 =	sadd.s32 $0x800, s6;
	s9 =	sadd.s32 $0x1000, s6;
	s12 =	sadd.s32 s31, s12  }
0x11: {  	s10 =	sadd.s32 $0x1800, s6;
	s11 =	sadd.s32 $0x2000, s12;
	s12 =	sshrl.u32 @!p0 s1, $0x3  }
.LBB2_4:
0x12: {  	s25 =	sadd.s32 $0x1, s25  }
0x13: {  	p1 =	sne.s32 s25, s7  }
.Ltmp1:
0x14: {  	_ = 	snop;
	(pc) =	sbr.rel @!p1 .LBB2_5-.Ltmp1, $4  }
0x15: {  	_ = 	snop  }
0x16: {  	_ =	swait.ge [sflag:s21], $0x4000  }
0x17: {  	[sflag:s21] =	ssyncset.done $0x0  }
0x18: {  	[sflag:s21] =	ssyncadd.s32 $0xFFFFC000  }
.LBB2_1:
0x19: {  	s26 =	simm.s32 @p0 $0x0  }
0x1a: {  	[tilespmem:s26], [sflag:$0x4] =	stream.linear.gather @p0 [hbm4b:s4+s26], $0x4000, $0x38;
	[tilespmem:$0x140A8] =	vst v63  }
0x1b: {  	s26 =	simm.s32 @p0 $0x4  }
0x1c: {  	_ =	swait.ge @p0 [sflag:s26], $0x4000  }
0x1d: {  	[sflag:s26] =	ssyncset.done @p0 $0x0  }
0x1e: {  	[sflag:s26] =	ssyncadd.s32 @p0 $0xFFFFC000;
	s26 =	simm.s32 @!p0 $0x1C01  }
0x1f: {  	[spmem:s12], [sflag:s26] =	dma.local @!p0 [hbm:s3], $0x150  }
0x20: {  	s26 =	simm.s32 @!p0 $0x0  }
0x21: {  	[tilespmem:s26], [sflag:$0x4] =	stream.linear.gather @!p0 [hbm4b:s5+s26], $0x4000, $0x38;
	[tilespmem:$0x140A8] =	vst v63  }
0x22: {  	s26 =	simm.s32 @!p0 $0x4  }
0x23: {  	_ =	swait.ge @!p0 [sflag:s26], $0x4000  }
0x24: {  	[sflag:s26] =	ssyncset.done @!p0 $0x0  }
0x25: {  	[sflag:s26] =	ssyncadd.s32 @!p0 $0xFFFFC000;
	s26 =	simm.s32 @!p0 $0x1  }
0x26: {  	_ =	swait.ge @!p0 [sflag:s26], $0x150  }
0x27: {  	[sflag:s26] =	ssyncset.done @!p0 $0x0  }
0x28: {  	[sflag:s26] =	ssyncadd.s32 @!p0 $0xFFFFFEB0  }
0x29: {  	[bflag:$0x0] =	sbarrier.arrive $0xFFFF  }
0x2a: {  	[tilespmem:s14], [sflag:$0x2] =	stream.indirect.gather [spmem:s1], $0x80, s2, s13, $0xb8;
	[tilespmem:$0x140A8] =	vst v63  }
0x2b: {  	_ = 	snop  }
0x2c: {  	[tilespmem:s15], [sflag:$0x2] =	stream.indirect.gather [spmem:s1], $0x80, s13, s13, $0xb8;
	[tilespmem:$0x140A8] =	vst v63  }
0x2d: {  	s0 =	simm.s32 $0x100  }
0x2e: {  	[tilespmem:s17], [sflag:$0x2] =	stream.indirect.gather [spmem:s1], $0x80, s0, s13, $0xb8;
	[tilespmem:$0x140A8] =	vst v63  }
0x2f: {  	_ =	swait.ge [sflag:s18], $0x4000  }
0x30: {  	[sflag:s18] =	ssyncset.done $0x0  }
0x31: {  	[sflag:s18] =	ssyncadd.s32 $0xFFFFC000  }
0x32: {  	[hbm4b:s6+s2] =	stream.linear.scatter [tilespmem:s14], [sflag:$0x3], $0x4000, $0x38;
	[tilespmem:$0x140A8] =	vst v63  }
0x33: {  	_ = 	snop  }
0x34: {  	[tilespmem:s20], [sflag:$0x2] =	stream.indirect.gather [spmem:s1], $0x80, s19, s13, $0xb8;
	[tilespmem:$0x140A8] =	vst v63  }
0x35: {  	_ =	swait.ge [sflag:s18], $0x4000  }
0x36: {  	[sflag:s18] =	ssyncset.done $0x0  }
0x37: {  	[sflag:s18] =	ssyncadd.s32 $0xFFFFC000  }
0x38: {  	[hbm4b:s8+s2] =	stream.linear.scatter [tilespmem:s15], [sflag:$0x3], $0x4000, $0x38;
	[tilespmem:$0x140A8] =	vst v63  }
0x39: {  	_ =	swait.ge [sflag:s21], $0x4000  }
0x3a: {  	[sflag:s21] =	ssyncset.done $0x0  }
0x3b: {  	[sflag:s21] =	ssyncadd.s32 $0xFFFFC000  }
0x3c: {  	[tilespmem:s14], [sflag:$0x2] =	stream.indirect.gather [spmem:s1], $0x80, s22, s13, $0xb8;
	[tilespmem:$0x140A8] =	vst v63  }
0x3d: {  	_ =	swait.ge [sflag:s18], $0x4000  }
0x3e: {  	[sflag:s18] =	ssyncset.done $0x0  }
0x3f: {  	[sflag:s18] =	ssyncadd.s32 $0xFFFFC000  }
0x40: {  	[hbm4b:s9+s2] =	stream.linear.scatter [tilespmem:s17], [sflag:$0x3], $0x4000, $0x38;
	[tilespmem:$0x140A8] =	vst v63  }
0x41: {  	_ =	swait.ge [sflag:s21], $0x4000  }
0x42: {  	[sflag:s21] =	ssyncset.done $0x0  }
0x43: {  	[sflag:s21] =	ssyncadd.s32 $0xFFFFC000  }
0x44: {  	[tilespmem:s15], [sflag:$0x2] =	stream.indirect.gather [spmem:s1], $0x80, s23, s13, $0xb8;
	[tilespmem:$0x140A8] =	vst v63  }
0x45: {  	_ =	swait.ge [sflag:s18], $0x4000  }
0x46: {  	[sflag:s18] =	ssyncset.done $0x0  }
0x47: {  	[sflag:s18] =	ssyncadd.s32 $0xFFFFC000  }
0x48: {  	[hbm4b:s10+s2] =	stream.linear.scatter [tilespmem:s20], [sflag:$0x3], $0x4000, $0x38;
	[tilespmem:$0x140A8] =	vst v63  }
0x49: {  	_ =	swait.ge [sflag:s21], $0x4000  }
0x4a: {  	[sflag:s21] =	ssyncset.done $0x0  }
0x4b: {  	s28 =	simm.s32 $0x0;
	s26 =	smov.u32 s11;
	[sflag:s21] =	ssyncadd.s32 $0xFFFFC000  }
0x4c: {  	[tilespmem:s17], [sflag:$0x2] =	stream.indirect.gather [spmem:s1], $0x80, s24, s13, $0xb8;
	[tilespmem:$0x140A8] =	vst v63  }
.LBB2_2:
0x4d: {  	_ =	swait.ge [sflag:s18], $0x4000  }
0x4e: {  	[sflag:s18] =	ssyncset.done $0x0  }
0x4f: {  	[sflag:s18] =	ssyncadd.s32 $0xFFFFC000  }
0x50: {  	[hbm4b:s26+s2] =	stream.linear.scatter [tilespmem:s14], [sflag:$0x3], $0x4000, $0x38;
	[tilespmem:$0x140A8] =	vst v63  }
0x51: {  	_ =	swait.ge [sflag:s21], $0x4000  }
0x52: {  	s29 =	sshra.s32 s28, $0x2;
	[sflag:s21] =	ssyncset.done $0x0  }
0x53: {  	s30 =	sadd.s32 $0x380, s29;
	[sflag:s21] =	ssyncadd.s32 $0xFFFFC000  }
0x54: {  	[tilespmem:s20], [sflag:$0x2] =	stream.indirect.gather [spmem:s1], $0x80, s30, s13, $0xb8;
	[tilespmem:$0x140A8] =	vst v63  }
0x55: {  	_ =	swait.ge [sflag:s18], $0x4000  }
0x56: {  	[sflag:s18] =	ssyncset.done $0x0  }
0x57: {  	s16 =	sadd.s32 $0x800, s26;
	[sflag:s18] =	ssyncadd.s32 $0xFFFFC000  }
0x58: {  	[hbm4b:s16+s2] =	stream.linear.scatter [tilespmem:s15], [sflag:$0x3], $0x4000, $0x38;
	[tilespmem:$0x140A8] =	vst v63  }
0x59: {  	p1 =	seq.s32 s28, $0xF000;
	_ =	swait.ge [sflag:s21], $0x4000  }
0x5a: {  	s0 =	simm.s32 @!p1 $0x80;
	s30 =	sshra.s32 @!p1 s28, $0x2;
	[sflag:s21] =	ssyncset.done $0x0  }
0x5b: {  	s31 =	sadd.s32 @!p1 $0x400, s30;
	s16 =	simm.s32 @!p1 $0x40A8;
	[sflag:s21] =	ssyncadd.s32 $0xFFFFC000  }
0x5c: {  	[tilespmem:s16], [sflag:$0x2] =	stream.indirect.gather @!p1 [spmem:s1], $0x80, s31, s0, $0xb8;
	[tilespmem:$0x140A8] =	vst v63  }
0x5d: {  	_ =	swait.ge [sflag:s18], $0x4000  }
0x5e: {  	[sflag:s18] =	ssyncset.done $0x0  }
0x5f: {  	s31 =	sadd.s32 $0x1000, s26;
	[sflag:s18] =	ssyncadd.s32 $0xFFFFC000  }
0x60: {  	[hbm4b:s31+s2] =	stream.linear.scatter [tilespmem:s17], [sflag:$0x3], $0x4000, $0x38;
	[tilespmem:$0x140A8] =	vst v63  }
0x61: {  	_ =	swait.ge [sflag:s21], $0x4000  }
0x62: {  	[sflag:s21] =	ssyncset.done $0x0  }
0x63: {  	s16 =	sadd.s32 @!p1 $0x480, s30;
	s30 =	simm.s32 @!p1 $0x80A8;
	[sflag:s21] =	ssyncadd.s32 $0xFFFFC000  }
0x64: {  	[tilespmem:s30], [sflag:$0x2] =	stream.indirect.gather @!p1 [spmem:s1], $0x80, s16, s0, $0xb8;
	[tilespmem:$0x140A8] =	vst v63  }
0x65: {  	_ =	swait.ge [sflag:s18], $0x4000  }
0x66: {  	[sflag:s18] =	ssyncset.done $0x0  }
.Ltmp2:
0x67: {  	s31 =	sadd.s32 $0x1800, s26;
	[sflag:s18] =	ssyncadd.s32 $0xFFFFC000;
	(pc) =	sbr.rel @p1 .LBB2_4-.Ltmp2, $4  }
0x68: {  	[hbm4b:s31+s2] =	stream.linear.scatter [tilespmem:s20], [sflag:$0x3], $0x4000, $0x38;
	[tilespmem:$0x140A8] =	vst v63  }
0x69: {  	_ =	swait.ge [sflag:s21], $0x4000  }
0x6a: {  	[sflag:s21] =	ssyncset.done $0x0  }
0x6b: {  	[sflag:s21] =	ssyncadd.s32 $0xFFFFC000  }
.Ltmp3:
0x6c: {  	(pc) =	sbr.rel .LBB2_2-.Ltmp3, $3  }
0x6d: {  	_ =	sdelay $0x1  }
0x6e: {  	s0 =	sadd.s32 $0x500, s29;
	s28 =	sadd.s32 $0x800, s28;
	s26 =	sadd.s32 $0x2000, s26  }
0x6f: {  	[tilespmem:s17], [sflag:$0x2] =	stream.indirect.gather [spmem:s1], $0x80, s0, s13, $0xb8;
	[tilespmem:$0x140A8] =	vst v63  }
.LBB2_5:
0x70: {  	_ =	sfence.sel $0x180000  }
0x71: {  	[bflag:$0x0] =	sbarrier.arrive $0xFFFF  }
0x72: {  	_ =	strace $0x90000047  }
0x73: {  	[bflag:$0x2] =	sbarrier.arrive $0xFFFF  }
0x74: {  	s0 =	rddreg [dreg:$0x3]  }
0x75: {  	s0 =	sadd.s32 @!p0 $0x100000, s0  }
0x76: {  	[sflag:s0] =	ssyncadd.tile.s32 @!p0 $0x1;
	_ =	shalt  }
.Lfunc_end2:
_tile_overlayer_lowered:
.L_overlay_start_2:
0x77: {  	(tag) =	ssettag $0x2  }
0x78: {  	s0 =	rddreg [dreg:$0x0];
	s2 =	stileid.u32  }
0x79: {  	s1 =	rddreg [dreg:$0x1];
	p0 =	sne.s32 s2, $0x0  }
0x7a: {  	s3 =	rddreg [dreg:$0x2];
	[bflag:$0x3] =	sbarrier.arrive $0xFFFF;
	s2 =	simm.s32 @!p0 $0x1C04  }
0x7b: {  	[timem:s3], [sflag:s2] =	dma.local @!p0 [hbm:s0], s1  }
0x7c: {  	s0 =	simm.s32 @!p0 $0x4  }
0x7d: {  	_ =	swait.ge @!p0 [sflag:s0], s1  }
0x7e: {  	s1 =	ssub.s32 @!p0 $0x0, s1;
	[sflag:s0] =	ssyncset.done @!p0 $0x0  }
0x7f: {  	[sflag:s0] =	ssyncadd.s32 @!p0 s1  }
0x80: {  	[bflag:$0x3] =	sbarrier.arrive $0xFFFF  }
0x81: {  	_ =	shalt  }

// kernel: sparse-core-data-format-call.cloned.1.call-start
scs
called_computation_lowered:
.L_overlay_start_0:
0x0: {  	s2 =	sld [smem:$0x3FD9]  }
0x1: {  	s3 =	sld [smem:$0x3FFE];
	_ =	sdelay $0x1  }
0x2: {  	s1 =	srdreg.scid  }
0x3: {  	s0 =	sand.u32 $0x1, s1  }
0x4: {  	s18 =	sshll.u32 s0, $0xA;
	s2 =	sadd.s32 s3, s2  }
0x5: {  	s2 =	sadd.s32 s2, s18  }
0x6: {  	[smem:$0x3FC6] =	sst s2  }
0x7: {  	_ = 	snop  }
0x8: {  	s2 =	sld [smem:$0x3FD0];
	(tm) =	ssettm $0x1  }
0x9: {  	s19 =	sld [smem:$0x3FFB];
	_ =	sdelay $0x3  }
0xa: {  	_ =	strace s19  }
0xb: {  	s3 =	sld [smem:$0x3FFC];
	_ =	sdelay $0x3  }
0xc: {  	_ =	strace s3  }
0xd: {  	s3 =	sld [smem:$0x3FFD];
	_ =	sdelay $0x3  }
0xe: {  	_ =	strace s3  }
0xf: {  	_ =	strace $0x8FFFFFFF  }
0x10: {  	s20 =	sld [smem:$0x3FDB];
	_ =	sdelay $0x1  }
0x11: {  	s4 =	simm.s32 $_scs_section_size  }
0x12: {  	s5 =	simm.s32 $_size__tile_overlayer_lowered;
	s6 =	simm.s32 $_tile_overlayer_lowered  }
0x13: {  	s23 =	simm.s32 $0x1BFF;
	s22 =	sshll.u32 s6, $0x1;
	s3 =	sadd.s32 s4, s20  }
0x14: {  	s7 =	simm.s32 $0x0;
	s21 =	sshll.u32 s5, $0x1;
	s5 =	sadd.s32 s22, s3  }
0x15: {  	[timem:s7], [sflag:s23] =	dma.local [hbm:s5], s21  }
0x16: {  	_ =	swait.ge [sflag:s23], s21  }
0x17: {  	s4 =	ssub.s32 $0x0, s21;
	[sflag:s23] =	ssyncset.done $0x0  }
0x18: {  	[sflag:s23] =	ssyncadd.s32 s4;
	_ =	sdelay $0x1  }
0x19: {  	s24 =	simm.s32 $0x1B8B  }
0x1a: {  	_ =	swait.ge [sflag:s24], $0x1  }
0x1b: {  	[sflag:s24] =	ssyncset.done $0x0  }
0x1c: {  	s26 =	simm.s32 $0x1B8E;
	s25 =	sld [smem:$0x3FFE];
	[sflag:s24] =	ssyncadd.s32 $0xFFFFFFFF  }
0x1d: {  	s27 =	simm.s32 $execute0_lowered;
	[smem:$0x3FD2] =	sst s26  }
0x1e: {  	s5 =	sshll.u32 s27, $0x1;
	_ =	strace $0x80000049;
	[dreg:$0x1] =	wrdreg $0xFFFFFFFF  }
0x1f: {  	s28 =	simm.s32 $_size_execute0_lowered;
	s3 =	sadd.s32 s3, s5;
	[dreg:$0x0] =	wrdreg $0x0  }
0x20: {  	s5 =	sshll.u32 s28, $0x1;
	[dreg:$0x2] =	wrdreg s3  }
0x21: {  	[dreg:$0x3] =	wrdreg s5  }
0x22: {  	[dreg:$0x4] =	wrdreg $0xC0  }
0x23: {  	_ =	task [dreg:s7], $0x5FFFF  }
0x24: {  	[dreg:$0x1] =	wrdreg $0xFFFFFFFF  }
0x25: {  	[dreg:$0x0] =	wrdreg $0x60  }
0x26: {  	[dreg:$0x2] =	wrdreg s25  }
0x27: {  	[dreg:$0x3] =	wrdreg s2  }
0x28: {  	[dreg:$0x4] =	wrdreg $0x9  }
0x29: {  	_ =	task.clear_ibuf [dreg:s7], $0x5FFFF;
	_ =	strace $0x90000049  }
0x2a: {  	s29 =	simm.s32 $0x9;
	_ =	strace $0x8000004B  }
0x2b: {  	_ =	swait.ge [sflag:s29], $0x1  }
0x2c: {  	[sflag:s29] =	ssyncadd.s32 $0xFFFFFFFF  }
0x2d: {  	_ =	strace $0x9000004B  }
0x2e: {  	_ =	sfence  }
0x2f: {  	s30 =	sld [smem:$0x0];
	_ =	sdelay $0x2  }
0x30: {  	s31 =	sshll.u32 s1, $0xD;
	s1 =	sshrl.u32 s1, $0x2  }
0x31: {  	s3 =	sand.u32 $0x4000, s31;
	s1 =	sadd.s32 s1, s30  }
0x32: {  	s0 =	sor.u32 s3, s0;
	s1 =	sshll.u32 s1, $0x11  }
0x33: {  	s0 =	sor.u32 s1, s0  }
0x34: {  	s0 =	sadd.s32 $0x8F2B, s0  }
0x35: {  	[sflag:s0] =	ssyncadd.remote.s32 $0x1  }
0x36: {  	_ =	sfence.sel $0xFFFF  }
0x37: {  	[dreg:$0x0] =	wrdreg $0xFFFFFFFF;
	(pc) =	sbr.abs _section_cstart, $3  }
0x38: {  	[dreg:$0x1] =	wrdreg $0xFFFFFFFF  }
0x39: {  	_ =	task.clear_ibuf [dreg:s7], $0x2FFFF;
	_ =	strace $0x9FFFFFFF  }
0x3a: {  	(tm) =	ssettm $0x7FFFFFFF  }
0x3b: {  	_ =	shalt  }
tec
execute0_lowered:
.L_overlay_start_1:
0x0: {  	(tag) =	ssettag $0x1  }
0x1: {  	s1 =	rddreg [dreg:$0x0]  }
0x2: {  	s2 =	rddreg [dreg:$0x1]  }
0x3: {  	s0 =	rddreg [dreg:$0x2]  }
0x4: {  	s4 =	srdreg.scid;
	_ =	strace $0x8000004A;
	s6 =	simm.s32 $0x2  }
0x5: {  	s12 =	simm.s32 $0x0;
	p0 =	por $0x0, $0x0;
	s13 =	simm.s32 $0x0  }
.Ltmp0:
0x6: {  	s8 =	simm.s32 $0x0;
	s9 =	simm.s32 $0x0;
	(pc) =	sbr.rel .LBB1_1-.Ltmp0, $4  }
0x7: {  	s10 =	simm.s32 $0x0;
	s3 =	sadd.s32 $0x1400, s1;
	s4 =	sshll.u32 s4, $0x4  }
0x8: {  	s1 =	stileid.u32;
	s5 =	sand.u32 $0x10, s4;
	s4 =	simm.s32 $0x1  }
0x9: {  	s7 =	simm.s32 $0x0;
	s5 =	sor.u32 s1, s5;
	[sflag:s4] =	ssyncpa.u1 $0x0  }
0xa: {  	[sflag:s6] =	ssyncpa.u1 $0x0;
	s6 =	simm.s32 $0x80000;
	s11 =	smov.u32 s5  }
.LBB1_5:
0xb: {  	p1 =	slt.u32 s7, $0x2  }
0xc: {  	s15 =	smov.u32 s13;
	p2 =	sgt.s32 @!p1 s13, $0x3FF;
	s14 =	sshra.s32 @!p1 s13, $0x1F  }
0xd: {  	p3 =	sgt.s32 @!p1 s12, $0x180;
	s16 =	sshra.s32 @!p1 s12, $0x1F;
	p2 =	por !p2, p1  }
0xe: {  	s13 =	sand.u32 @!p1 s14, s13;
	p3 =	por !p3, p1;
	s14 =	smov.u32 s12  }
0xf: {  	s12 =	sand.u32 @!p1 s16, s12;
	s15 =	simm.s32 @p2 $0x3FF;
	s14 =	simm.s32 @p3 $0x180  }
0x10: {  	s16 =	smov.u32 s11;
	s13 =	ssub.s32 @!p1 s15, s13;
	s12 =	ssub.s32 @!p1 s14, s12  }
0x11: {  	s14 =	sadd.s32 @!p1 $0xFFFFFC01, s13;
	s13 =	ssub.s32 @!p1 $0x400, s13;
	s15 =	sadd.s32 @!p1 $0xFFFFFE80, s12  }
0x12: {  	p2 =	sgt.s32 @!p1 s14, $0x0;
	s13 =	smul.u32 @!p1 $0x7B, s13;
	p3 =	sgt.s32 @!p1 s15, $0x7F  }
0x13: {  	s12 =	ssub.s32 @!p1 $0x200, s12;
	p2 =	por !p2, p1;
	p3 =	por !p3, p1  }
0x14: {  	s14 =	sadd.s32 $0x80, s10;
	s13 =	simm.s32 @!p2 $0x0;
	s12 =	simm.s32 @!p3 $0x0  }
0x15: {  	p2 =	sgt.s32 s14, $0x1FF;
	s12 =	smul.u32 @!p1 s12, s13;
	s13 =	sadd.s32 $0x20, s11  }
0x16: {  	s16 =	smov.u32 @p2 s13  }
0x17: {  	s7 =	sadd.s32 $0x1, s7;
	s14 =	simm.s32 @p2 $0x0;
	p2 =	sgt.s32 s16, $0x3FF  }
0x18: {  	s16 =	smov.u32 @p2 s5;
	p2 =	sne.s32 s7, $0x82  }
.Ltmp1:
0x19: {  	p0 =	por !p0, !p0;
	(pc) =	sbr.rel @!p2 .LBB1_6-.Ltmp1, $4  }
0x1a: {  	s15 =	simm.s32 @!p1 $0x2;
	s13 =	smov.u32 s9;
	s12 =	sand.u32 @!p1 $0x3FFFFFFF, s12  }
0x1b: {  	s9 =	smov.u32 s11;
	_ =	swait.ge @!p1 [sflag:s15], s12;
	s17 =	ssub.s32 @!p1 $0x0, s12  }
0x1c: {  	s12 =	smov.u32 s8;
	s8 =	smov.u32 s10;
	[sflag:s15] =	ssyncset.done @!p1 $0x0  }
0x1d: {  	s10 =	smov.u32 s14;
	s11 =	smov.u32 s16;
	[sflag:s15] =	ssyncadd.s32 @!p1 s17  }
.LBB1_1:
0x1e: {  	p1 =	sgt.u32 s7, $0x7F  }
0x1f: {  	s14 =	sxor.u32 @!p1 $0xFFFFFFFF, s7;
	s15 =	sshll.u32 @!p1 s11, $0xD;
	s16 =	sshll.u32 @!p1 s10, $0x4  }
0x20: {  	s14 =	sshll.u32 @!p1 s14, $0xE;
	s16 =	sand.u32 @!p1 $0x1FF0, s16;
	s15 =	sadd.s32 @!p1 s3, s15  }
0x21: {  	s14 =	sand.u32 @!p1 $0x4000, s14;
	s15 =	sadd.s32 @!p1 s16, s15;
	s16 =	simm.s32 @!p1 $0x0  }
0x22: {  	[tilespmem:s14], [sflag:$0x1] =	stream.linear.gather @!p1 [hbm4b:s15+s16], $0x4000, $0x38;
	[tilespmem:$0x10100] =	vst v63  }
0x23: {  	p1 =	seq.s32 s7, $0x0  }
0x24: {  	p2 =	seq.s32 @!p1 s7, $0x81  }
0x25: {  	p1 =	por p1, p2  }
.Ltmp2:
0x26: {  	_ = 	snop;
	(pc) =	sbr.rel @p1 .LBB1_5-.Ltmp2, $1  }
0x27: {  	_ =	sdelay $0x3  }
0x28: {  	s14 =	simm.s32 $0x1  }
0x29: {  	_ =	swait.ge [sflag:s4], $0x4000;
	s14 =	simm.s32 @!p0 $0x0  }
0x2a: {  	[sflag:s4] =	ssyncset.done $0x0;
	s15 =	sshll.u32 s14, $0xE  }
0x2b: {  	[sflag:s4] =	ssyncadd.s32 $0xFFFFC000;
	s15 =	sor.u32 $0x40, s15  }
0x2c: {  	s14 =	smul.u32 $0x10200, s14;
	v0 =	vld [tilespmem:s15+$0x30]  }
0x2d: {  	v1 =	vld [tilespmem:s15+$0xFFFFFFD0]  }
0x2e: {  	s14 =	sshrl.u32 s14, $0x2;
	v5 =	vld [tilespmem:s15+$0xFFFFFFE0]  }
0x2f: {  	v6 =	vld [tilespmem:s15+$0xFFFFFFF0];
	s17 =	sor.u32 $0x8000, s14  }
0x30: {  	s31 =	sand.u32 $0x1, s7;
	v4 =	vld [tilespmem:s15+$0x0];
	s16 =	sadd.s32 $0x0, s17  }
0x31: {  	v3 =	vld [tilespmem:s15+$0x10];
	s14 =	smul.u32 $0x10200, s31;
	[tilespmem:s16+$0x3870 ss:$0x81] =	vst.msk $0xffff, v0  }
0x32: {  	v2 =	vld [tilespmem:s15+$0x20];
	[tilespmem:s16+$0x810 ss:$0x81] =	vst.msk $0xffff, v1  }
0x33: {  	s14 =	sshrl.u32 s14, $0x2;
	v0 =	vld [tilespmem:s15+$0xFFFFFFC0];
	[tilespmem:s16+$0x1020 ss:$0x81] =	vst.msk $0xffff, v5;
	s15 =	sadd.s32 $0x80, s15  }
0x34: {  	s18 =	simm.s32 $0x4;
	s19 =	simm.s32 $0x8;
	s14 =	sor.u32 $0x8000, s14;
	[tilespmem:s16+$0x1830 ss:$0x81] =	vst.msk $0xffff, v6;
	v1 =	vld [tilespmem:s15+$0x30]  }
.LBB1_3:
0x35: {  	p1 =	sne.s32 s19, $0x1FC;
	v5 =	vld [tilespmem:s15+$0xFFFFFFD0];
	[tilespmem:s16+$0x2040 ss:$0x81] =	vst.msk $0xffff, v4  }
0x36: {  	v6 =	vld [tilespmem:s15+$0xFFFFFFE0];
	[tilespmem:s16+$0x2850 ss:$0x81] =	vst.msk $0xffff, v3  }
0x37: {  	s20 =	sshra.s32 s18, $0x2;
	s18 =	smov.u32 s19;
	v7 =	vld [tilespmem:s15+$0xFFFFFFF0];
	[tilespmem:s16+$0x3060 ss:$0x81] =	vst.msk $0xffff, v2  }
.Ltmp3:
0x38: {  	v4 =	vld [tilespmem:s15+$0x0];
	[tilespmem:s16+$0x0 ss:$0x81] =	vst.msk $0xffff, v0;
	s16 =	sadd.s32 s20, s17;
	(pc) =	sbr.rel @p1 .LBB1_3-.Ltmp3, $4  }
0x39: {  	v3 =	vld [tilespmem:s15+$0x10];
	[tilespmem:s16+$0x3870 ss:$0x81] =	vst.msk $0xffff, v1  }
0x3a: {  	[tilespmem:s16+$0x810 ss:$0x81] =	vst.msk $0xffff, v5;
	v2 =	vld [tilespmem:s15+$0x20]  }
0x3b: {  	v0 =	vld [tilespmem:s15+$0xFFFFFFC0];
	[tilespmem:s16+$0x1020 ss:$0x81] =	vst.msk $0xffff, v6;
	s15 =	sadd.s32 $0x80, s15  }
0x3c: {  	s19 =	sadd.s32 $0x4, s19;
	v1 =	vld [tilespmem:s15+$0x30];
	[tilespmem:s16+$0x1830 ss:$0x81] =	vst.msk $0xffff, v7  }
0x3d: {  	v5 =	vld [tilespmem:s15+$0xFFFFFFD0]  }
0x3e: {  	v58 =	vld [tilespmem:s15+$0xFFFFFFE0]  }
0x3f: {  	s18 =	sshra.s32 s18, $0x2;
	p1 =	sgt.s32 s9, $0x3FF;
	s19 =	smov.u32 s9;
	v59 =	vld [tilespmem:s15+$0xFFFFFFF0]  }
0x40: {  	s20 =	sshra.s32 s9, $0x1F;
	s22 =	sshra.s32 s8, $0x1F;
	v60 =	vld [tilespmem:s15+$0x0];
	s25 =	sshll.u32 s8, $0x3  }
0x41: {  	[tilespmem:s16+$0x2040 ss:$0x81] =	vst.msk $0xffff, v4;
	v61 =	vld [tilespmem:s15+$0x10];
	s27 =	sshll.u32 s9, $0x7;
	s28 =	sand.u32 $0x78, s8;
	s17 =	sadd.s32 s18, s17  }
0x42: {  	v62 =	vld [tilespmem:s15+$0x20];
	s19 =	simm.s32 @!p1 $0x3FF;
	s21 =	sand.u32 s20, s9;
	[tilespmem:s16+$0x2850 ss:$0x81] =	vst.msk $0xffff, v3;
	p1 =	sgt.s32 s8, $0x180  }
0x43: {  	v63 =	vld [tilespmem:s15+$0xFFFFFFC0];
	s20 =	sand.u32 s22, s8;
	s15 =	sand.u32 $0x380, s27;
	s18 =	ssub.s32 s19, s21;
	[tilespmem:s16+$0x3060 ss:$0x81] =	vst.msk $0xffff, v2  }
0x44: {  	s19 =	smov.u32 s8;
	s21 =	sshll.u32 s9, $0x9;
	s15 =	sor.u32 s15, s28;
	[tilespmem:s16+$0x0 ss:$0x81] =	vst.msk $0xffff, v0  }
0x45: {  	s19 =	simm.s32 @!p1 $0x180;
	s23 =	sand.u32 $0x7F000, s21;
	s24 =	ssub.s32 $0x400, s18;
	[tilespmem:s17+$0x3870 ss:$0x81] =	vst.msk $0xffff, v1  }
0x46: {  	s18 =	sadd.s32 $0xFFFFFC01, s18;
	s19 =	ssub.s32 s19, s20;
	s21 =	smul.u32 $0x7B, s24;
	[tilespmem:s17+$0x810 ss:$0x81] =	vst.msk $0xffff, v5  }
0x47: {  	s16 =	sadd.s32 s23, s25;
	p1 =	sgt.s32 s18, $0x0;
	s26 =	sadd.s32 $0xFFFFFE80, s19;
	[tilespmem:s17+$0x1020 ss:$0x81] =	vst.msk $0xffff, v58  }
0x48: {  	[tilespmem:s17+$0x1830 ss:$0x81] =	vst.msk $0xffff, v59;
	s19 =	ssub.s32 $0x200, s19;
	s21 =	simm.s32 @p1 $0x0;
	p1 =	sgt.s32 s26, $0x7F  }
.Ltmp4:
0x49: {  	[tilespmem:s17+$0x2040 ss:$0x81] =	vst.msk $0xffff, v60;
	s16 =	sand.u32 $0x7FC00, s16;
	s19 =	simm.s32 @p1 $0x0;
	(pc) =	sbr.rel .LBB1_5-.Ltmp4, $4  }
0x4a: {  	s30 =	sand.u32 $0x7, s8;
	[tilespmem:s17+$0x2850 ss:$0x81] =	vst.msk $0xffff, v61;
	s15 =	sor.u32 s16, s15;
	s29 =	smul.u32 s19, s21  }
0x4b: {  	[tilespmem:s17+$0x3060 ss:$0x81] =	vst.msk $0xffff, v62;
	s16 =	sshll.u32 s30, $0x12;
	s15 =	sshrl.u32 s15, $0x3  }
0x4c: {  	[tilespmem:s17+$0x0 ss:$0x81] =	vst.msk $0xffff, v63;
	s16 =	sor.u32 $0x80, s16;
	s15 =	sadd.s32 s2, s15;
	s31 =	sand.u32 $0x3FFFFFFF, s29  }
0x4d: {  	[hbm4b:s15+s16] =	stream.strided.scatter [tilespmem:s14], [sflag:$0x2], s31, s6, s16, $0x20;
	[tilespmem:$0x10100] =	vst v63  }
.LBB1_6:
0x4e: {  	_ =	sfence.sel $0x180000  }
0x4f: {  	s2 =	simm.s32 $0x1;
	[bflag:$0x0] =	sbarrier.arrive $0xFFFF  }
0x50: {  	s31 =	simm.s32 $0x2;
	[sflag:s2] =	ssyncpa.u1 $0x1  }
0x51: {  	[sflag:s31] =	ssyncpa.u1 $0x1  }
0x52: {  	p0 =	sne.s32 s1, $0x0;
	_ =	strace $0x9000004A  }
0x53: {  	s0 =	sadd.s32 @!p0 $0x100000, s0;
	[bflag:$0x2] =	sbarrier.arrive $0xFFFF  }
0x54: {  	[sflag:s0] =	ssyncadd.tile.s32 @!p0 $0x1;
	_ =	shalt  }
.Lfunc_end1:
_tile_overlayer_lowered:
.L_overlay_start_2:
0x55: {  	(tag) =	ssettag $0x2  }
0x56: {  	s0 =	rddreg [dreg:$0x0];
	s2 =	stileid.u32  }
0x57: {  	s1 =	rddreg [dreg:$0x1];
	p0 =	sne.s32 s2, $0x0  }
0x58: {  	s3 =	rddreg [dreg:$0x2];
	[bflag:$0x3] =	sbarrier.arrive $0xFFFF;
	s2 =	simm.s32 @!p0 $0x1C01  }
0x59: {  	[timem:s3], [sflag:s2] =	dma.local @!p0 [hbm:s0], s1  }
0x5a: {  	s0 =	simm.s32 @!p0 $0x1  }
0x5b: {  	_ =	swait.ge @!p0 [sflag:s0], s1  }
0x5c: {  	s1 =	ssub.s32 @!p0 $0x0, s1;
	[sflag:s0] =	ssyncset.done @!p0 $0x0  }
0x5d: {  	[sflag:s0] =	ssyncadd.s32 @!p0 s1  }
0x5e: {  	[bflag:$0x3] =	sbarrier.arrive $0xFFFF  }
0x5f: {  	_ =	shalt  }

</sc_bundles>
